<compile_context>
chip_gen: v7x
topology: tpu7x:2x2x1
jax: 0.10.2.dev20260603
libtpu: 0.0.44.dev20260713+nightly
codegen_flags: <defaults>
</compile_context>

<pallas_src>
import dataclasses
import functools

import jax
import jax.numpy as jnp
from jax import lax
from jax.experimental import pallas as pl
from jax.experimental.pallas import tpu as pltpu
from jax.experimental.pallas import tpu_sc as plsc

E = 160000
D = 256
NC, NS, L = 2, 16, 16
NW = NC * NS
EPW = E // NW
C = 64
G = -(-EPW // C)
LAST = EPW - C


def _sc_edge_dot(x, senders, receivers):
    mesh = plsc.VectorSubcoreMesh(core_axis_name="c", subcore_axis_name="s")
    cp = pltpu.CompilerParams()
    if "needs_layout_passes" in pltpu.CompilerParams.__dataclass_fields__:
        cp = dataclasses.replace(cp, needs_layout_passes=False)
    if "use_tc_tiling_on_sc" in pltpu.CompilerParams.__dataclass_fields__:
        cp = dataclasses.replace(cp, use_tc_tiling_on_sc=False)

    @functools.partial(
        pl.kernel,
        compiler_params=cp,
        out_type=jax.ShapeDtypeStruct((E,), jnp.float32),
        mesh=mesh,
        scratch_types=[
            pltpu.VMEM((EPW,), jnp.int32),
            pltpu.VMEM((EPW,), jnp.int32),
            [pltpu.VMEM((C, D), jnp.float32) for _ in range(2)],
            [pltpu.VMEM((C, D), jnp.float32) for _ in range(2)],
            pltpu.VMEM((EPW,), jnp.float32),
            [pltpu.SemaphoreType.DMA for _ in range(2)],
        ],
    )
    def k(x_hbm, s_hbm, r_hbm, o_hbm, s_v, r_v, xs_v, xr_v, o_v, sem):
        wid = lax.axis_index("s") * NC + lax.axis_index("c")
        ebase = wid * EPW
        iota16 = lax.iota(jnp.int32, L)

        pltpu.sync_copy(s_hbm.at[pl.ds(ebase, EPW)], s_v)
        pltpu.sync_copy(r_hbm.at[pl.ds(ebase, EPW)], r_v)

        def chunk_off(g):
            return jnp.minimum(g * C, LAST)

        def issue(g, b):
            off = chunk_off(g)
            pltpu.async_copy(x_hbm.at[s_v.at[pl.ds(off, C)]], xs_v[b], sem[b])
            pltpu.async_copy(x_hbm.at[r_v.at[pl.ds(off, C)]], xr_v[b], sem[b])

        def compute(g, b):
            off = chunk_off(g)
            pltpu.make_async_copy(
                x_hbm.at[s_v.at[pl.ds(off, C)]], xs_v[b], sem[b]).wait()
            pltpu.make_async_copy(
                x_hbm.at[r_v.at[pl.ds(off, C)]], xr_v[b], sem[b]).wait()

            @pl.loop(0, C, step=L)
            def _(e0):
                rows = iota16 + e0

                @pl.loop(0, D - L, init_carry=jnp.zeros((L,), jnp.float32),
                         unroll=16)
                def acc(d, a):
                    cols = iota16 + d
                    xs = plsc.load_gather(xs_v[b], [rows, cols])
                    xr = plsc.load_gather(xr_v[b], [rows, cols])
                    return a + xs * xr

                @pl.loop(D - L, D, init_carry=acc, unroll=16)
                def acc2(d, a):
                    cols = iota16 + d
                    cols = jnp.where(cols >= D, cols - D, cols)
                    xs = plsc.load_gather(xs_v[b], [rows, cols])
                    xr = plsc.load_gather(xr_v[b], [rows, cols])
                    return a + xs * xr

                o_v[pl.ds(off + e0, L)] = acc2

        issue(0, 0)

        @pl.loop(0, G + 1, step=2)
        def _(g):
            pl.when(g + 1 < G)(lambda: issue(g + 1, 1))
            compute(g, 0)
            pl.when(g + 2 < G)(lambda: issue(g + 2, 0))
            pl.when(g + 1 < G)(lambda: compute(g + 1, 1))

        pltpu.sync_copy(o_v, o_hbm.at[pl.ds(ebase, EPW)])

    return k(x, senders, receivers)


def kernel(x, edge_index):
    senders = edge_index[0].astype(jnp.int32)
    receivers = edge_index[1].astype(jnp.int32)
    he = _sc_edge_dot(x, senders, receivers)
    return he.reshape(E, 1)

# --- scband reference (transcript-rebuilt; emitter-appended) ---
"""Pipeline reference for scband-dot-product-predictor-8710193677020 (READ-ONLY COPY).

The authoritative reference and input builder live on the scoring server;
editing this copy changes nothing except your own understanding.
"""

import jax, jax.numpy as jnp
import numpy as np


def setup_inputs(seed: int = 0) -> dict:
    key = jax.random.key(seed)
    k1, k2 = jax.random.split(key)
    x = jax.random.normal(k1, (10000, 256), dtype=jnp.float32)
    edge_index = jax.random.randint(k2, (2, 160000), 0, 10000, dtype=jnp.int64)
    return {"x": x, "edge_index": edge_index}


def reference(x, edge_index):
    # he[i] = dot(x[sender_i], x[receiver_i]) for each edge, output shape [E, 1]
    senders = edge_index[0]
    receivers = edge_index[1]
    xs = jnp.take(x, senders, axis=0)      # [E, d]
    xr = jnp.take(x, receivers, axis=0)    # [E, d]
    he = jnp.sum(xs * xr, axis=1, keepdims=True)  # [E, 1]
    return he

if __name__ == "__main__":
    import jax
    _d = setup_inputs()
    print(jax.jit(kernel)(*tuple(_d.values())))

</pallas_src>

<mosaic_0001>
#map = affine_map<(d0, d1) -> (0, 0)>
#map1 = affine_map<(d0, d1) -> (0)>
module attributes {stable_mosaic.version = 14 : i64} {
  func.func @k(%arg0: i32, %arg1: i32, %arg2: memref<10000x256xf32, #tpu.memory_space<hbm>>, %arg3: memref<160000xi32, #tpu.memory_space<hbm>>, %arg4: memref<160000xi32, #tpu.memory_space<hbm>>, %arg5: memref<160000xf32, #tpu.memory_space<hbm>>, %arg6: memref<5000xi32, #tpu.memory_space<vmem>>, %arg7: memref<5000xi32, #tpu.memory_space<vmem>>, %arg8: memref<64x256xf32, #tpu.memory_space<vmem>>, %arg9: memref<64x256xf32, #tpu.memory_space<vmem>>, %arg10: memref<64x256xf32, #tpu.memory_space<vmem>>, %arg11: memref<64x256xf32, #tpu.memory_space<vmem>>, %arg12: memref<5000xf32, #tpu.memory_space<vmem>>, %arg13: memref<!tpu.dma_semaphore, #tpu.memory_space<semaphore_mem>>, %arg14: memref<!tpu.dma_semaphore, #tpu.memory_space<semaphore_mem>>) attributes {dimension_semantics = [#tpu.dimension_semantics<core_parallel>, #tpu.dimension_semantics<subcore_parallel>], iteration_bounds = array<i64: 2, 16>, scalar_prefetch = 0 : i64, scratch_operands = 9 : i64, tpu.core_type = #tpu.core_type<sc_vector_subcore>, window_params = [{transform_indices = #map}, {transform_indices = #map1}, {transform_indices = #map1}, {transform_indices = #map1}]} {
    %mul3A = arith.constant 2 : i32
    %mul3A_0 = arith.muli %arg1, %mul3A : i32
    %add3A = arith.addi %mul3A_0, %arg0 : i32
    %mul3A_1 = arith.constant 5000 : i32
    %mul3A_2 = arith.muli %add3A, %mul3A_1 : i32
    %iota3A = tpu.iota {dimensions = array<i32: 0>} : vector<16xi32>
    "tpu.region"() ({
      %run_scoped3A = tpu.sem_alloc : memref<!tpu.dma_semaphore, #tpu.memory_space<semaphore_mem>>
      %dma_start3A_16 = tpu.memref_slice %arg3[%mul3A_2] : memref<160000xi32, #tpu.memory_space<hbm>> -> memref<5000xi32, #tpu.memory_space<hbm>>
      %dma_start3A_17 = tpu.memref_slice %arg3[%mul3A_2] : memref<160000xi32, #tpu.memory_space<hbm>> -> memref<5000xi32, #tpu.memory_space<hbm>>
      tpu.enqueue_dma source(%dma_start3A_17 : memref<5000xi32, #tpu.memory_space<hbm>>) target(%arg6 : memref<5000xi32, #tpu.memory_space<vmem>>) target_semaphore(%run_scoped3A : memref<!tpu.dma_semaphore, #tpu.memory_space<semaphore_mem>>)
      %dma_wait3A = tpu.memref_slice %arg3[%mul3A_2] : memref<160000xi32, #tpu.memory_space<hbm>> -> memref<5000xi32, #tpu.memory_space<hbm>>
      %dma_wait3A_18 = tpu.memref_slice %arg3[%mul3A_2] : memref<160000xi32, #tpu.memory_space<hbm>> -> memref<5000xi32, #tpu.memory_space<hbm>>
      tpu.wait_dma2 semaphore(%run_scoped3A : memref<!tpu.dma_semaphore, #tpu.memory_space<semaphore_mem>>) src(%dma_wait3A_18 : memref<5000xi32, #tpu.memory_space<hbm>>) dst(%arg6 : memref<5000xi32, #tpu.memory_space<vmem>>)
      tpu.yield
    }) : () -> ()
    "tpu.region"() ({
      %run_scoped3A = tpu.sem_alloc : memref<!tpu.dma_semaphore, #tpu.memory_space<semaphore_mem>>
      %dma_start3A_16 = tpu.memref_slice %arg4[%mul3A_2] : memref<160000xi32, #tpu.memory_space<hbm>> -> memref<5000xi32, #tpu.memory_space<hbm>>
      %dma_start3A_17 = tpu.memref_slice %arg4[%mul3A_2] : memref<160000xi32, #tpu.memory_space<hbm>> -> memref<5000xi32, #tpu.memory_space<hbm>>
      tpu.enqueue_dma source(%dma_start3A_17 : memref<5000xi32, #tpu.memory_space<hbm>>) target(%arg7 : memref<5000xi32, #tpu.memory_space<vmem>>) target_semaphore(%run_scoped3A : memref<!tpu.dma_semaphore, #tpu.memory_space<semaphore_mem>>)
      %dma_wait3A = tpu.memref_slice %arg4[%mul3A_2] : memref<160000xi32, #tpu.memory_space<hbm>> -> memref<5000xi32, #tpu.memory_space<hbm>>
      %dma_wait3A_18 = tpu.memref_slice %arg4[%mul3A_2] : memref<160000xi32, #tpu.memory_space<hbm>> -> memref<5000xi32, #tpu.memory_space<hbm>>
      tpu.wait_dma2 semaphore(%run_scoped3A : memref<!tpu.dma_semaphore, #tpu.memory_space<semaphore_mem>>) src(%dma_wait3A_18 : memref<5000xi32, #tpu.memory_space<hbm>>) dst(%arg7 : memref<5000xi32, #tpu.memory_space<vmem>>)
      tpu.yield
    }) : () -> ()
    %min3A = arith.constant 0 : i32
    %min3A_3 = arith.constant 4936 : i32
    %min3A_4 = arith.minsi %min3A, %min3A_3 : i32
    %dma_start3A = tpu.memref_slice %arg6[%min3A_4] : memref<5000xi32, #tpu.memory_space<vmem>> -> memref<64xi32, #tpu.memory_space<vmem>>
    %dma_start3A_5 = arith.constant 0 : i32
    %dma_start3A_6 = arith.constant 0 : i32
    %dma_start3A_7 = tpu.memref_slice %arg2[%dma_start3A_5, %dma_start3A_6] : memref<10000x256xf32, #tpu.memory_space<hbm>> -> memref<10000x256xf32, #tpu.memory_space<hbm>>
    tpu.enqueue_indirect_dma source(%dma_start3A_7 : memref<10000x256xf32, #tpu.memory_space<hbm>>) target(%arg8 : memref<64x256xf32, #tpu.memory_space<vmem>>) offsets(%dma_start3A : memref<64xi32, #tpu.memory_space<vmem>>) semaphore(%arg13 : memref<!tpu.dma_semaphore, #tpu.memory_space<semaphore_mem>>)
    %dma_start3A_8 = tpu.memref_slice %arg7[%min3A_4] : memref<5000xi32, #tpu.memory_space<vmem>> -> memref<64xi32, #tpu.memory_space<vmem>>
    %dma_start3A_9 = arith.constant 0 : i32
    %dma_start3A_10 = arith.constant 0 : i32
    %dma_start3A_11 = tpu.memref_slice %arg2[%dma_start3A_9, %dma_start3A_10] : memref<10000x256xf32, #tpu.memory_space<hbm>> -> memref<10000x256xf32, #tpu.memory_space<hbm>>
    tpu.enqueue_indirect_dma source(%dma_start3A_11 : memref<10000x256xf32, #tpu.memory_space<hbm>>) target(%arg10 : memref<64x256xf32, #tpu.memory_space<vmem>>) offsets(%dma_start3A_8 : memref<64xi32, #tpu.memory_space<vmem>>) semaphore(%arg13 : memref<!tpu.dma_semaphore, #tpu.memory_space<semaphore_mem>>)
    %scan3A = arith.constant 0 : i32
    %scan3A_12 = arith.constant 40 : i32
    %scan3A_13 = arith.addi %scan3A, %scan3A_12 : i32
    %scan3A_14 = arith.constant 1 : i32
    scf.for %scan3A_16 = %scan3A to %scan3A_13 step %scan3A_14  : i32 {
      %mul3A_17 = arith.constant 2 : i32
      %mul3A_18 = arith.muli %scan3A_16, %mul3A_17 : i32
      %add3A_19 = arith.constant 0 : i32
      %add3A_20 = arith.addi %add3A_19, %mul3A_18 : i32
      %add3A_21 = arith.constant 1 : i32
      %add3A_22 = arith.addi %add3A_20, %add3A_21 : i32
      %lt3A = arith.constant 79 : i32
      %lt3A_23 = arith.cmpi slt, %add3A_22, %lt3A : i32
      %convert_element_type3A = arith.extui %lt3A_23 : i1 to i32
      %cond3A = arith.constant 0 : i32
      %cond3A_24 = arith.cmpi ne, %convert_element_type3A, %cond3A : i32
      scf.if %cond3A_24 {
        %add3A_55 = arith.constant 1 : i32
        %add3A_56 = arith.addi %add3A_20, %add3A_55 : i32
        %mul3A_57 = arith.constant 64 : i32
        %mul3A_58 = arith.muli %add3A_56, %mul3A_57 : i32
        %min3A_59 = arith.constant 4936 : i32
        %min3A_60 = arith.minsi %mul3A_58, %min3A_59 : i32
        %dma_start3A_61 = tpu.memref_slice %arg6[%min3A_60] : memref<5000xi32, #tpu.memory_space<vmem>> -> memref<64xi32, #tpu.memory_space<vmem>>
        %dma_start3A_62 = arith.constant 0 : i32
        %dma_start3A_63 = arith.constant 0 : i32
        %dma_start3A_64 = tpu.memref_slice %arg2[%dma_start3A_62, %dma_start3A_63] : memref<10000x256xf32, #tpu.memory_space<hbm>> -> memref<10000x256xf32, #tpu.memory_space<hbm>>
        tpu.enqueue_indirect_dma source(%dma_start3A_64 : memref<10000x256xf32, #tpu.memory_space<hbm>>) target(%arg9 : memref<64x256xf32, #tpu.memory_space<vmem>>) offsets(%dma_start3A_61 : memref<64xi32, #tpu.memory_space<vmem>>) semaphore(%arg14 : memref<!tpu.dma_semaphore, #tpu.memory_space<semaphore_mem>>)
        %dma_start3A_65 = tpu.memref_slice %arg7[%min3A_60] : memref<5000xi32, #tpu.memory_space<vmem>> -> memref<64xi32, #tpu.memory_space<vmem>>
        %dma_start3A_66 = arith.constant 0 : i32
        %dma_start3A_67 = arith.constant 0 : i32
        %dma_start3A_68 = tpu.memref_slice %arg2[%dma_start3A_66, %dma_start3A_67] : memref<10000x256xf32, #tpu.memory_space<hbm>> -> memref<10000x256xf32, #tpu.memory_space<hbm>>
        tpu.enqueue_indirect_dma source(%dma_start3A_68 : memref<10000x256xf32, #tpu.memory_space<hbm>>) target(%arg11 : memref<64x256xf32, #tpu.memory_space<vmem>>) offsets(%dma_start3A_65 : memref<64xi32, #tpu.memory_space<vmem>>) semaphore(%arg14 : memref<!tpu.dma_semaphore, #tpu.memory_space<semaphore_mem>>)
      } else {
      }
      %mul3A_25 = arith.constant 64 : i32
      %mul3A_26 = arith.muli %add3A_20, %mul3A_25 : i32
      %min3A_27 = arith.constant 4936 : i32
      %min3A_28 = arith.minsi %mul3A_26, %min3A_27 : i32
      %dma_wait3A = tpu.memref_slice %arg6[%min3A_28] : memref<5000xi32, #tpu.memory_space<vmem>> -> memref<64xi32, #tpu.memory_space<vmem>>
      %dma_wait3A_29 = arith.constant 0 : i32
      %dma_wait3A_30 = arith.constant 0 : i32
      %dma_wait3A_31 = tpu.memref_slice %arg2[%dma_wait3A_29, %dma_wait3A_30] : memref<10000x256xf32, #tpu.memory_space<hbm>> -> memref<10000x256xf32, #tpu.memory_space<hbm>>
      tpu.wait_indirect_dma semaphore(%arg13 : memref<!tpu.dma_semaphore, #tpu.memory_space<semaphore_mem>>) src(%dma_wait3A_31 : memref<10000x256xf32, #tpu.memory_space<hbm>>) dst(%arg8 : memref<64x256xf32, #tpu.memory_space<vmem>>)
      %dma_wait3A_32 = tpu.memref_slice %arg7[%min3A_28] : memref<5000xi32, #tpu.memory_space<vmem>> -> memref<64xi32, #tpu.memory_space<vmem>>
      %dma_wait3A_33 = arith.constant 0 : i32
      %dma_wait3A_34 = arith.constant 0 : i32
      %dma_wait3A_35 = tpu.memref_slice %arg2[%dma_wait3A_33, %dma_wait3A_34] : memref<10000x256xf32, #tpu.memory_space<hbm>> -> memref<10000x256xf32, #tpu.memory_space<hbm>>
      tpu.wait_indirect_dma semaphore(%arg13 : memref<!tpu.dma_semaphore, #tpu.memory_space<semaphore_mem>>) src(%dma_wait3A_35 : memref<10000x256xf32, #tpu.memory_space<hbm>>) dst(%arg10 : memref<64x256xf32, #tpu.memory_space<vmem>>)
      %scan3A_36 = arith.constant 0 : i32
      %scan3A_37 = arith.constant 4 : i32
      %scan3A_38 = arith.addi %scan3A_36, %scan3A_37 : i32
      %scan3A_39 = arith.constant 1 : i32
      scf.for %scan3A_55 = %scan3A_36 to %scan3A_38 step %scan3A_39  : i32 {
        %mul3A_56 = arith.constant 16 : i32
        %mul3A_57 = arith.muli %scan3A_55, %mul3A_56 : i32
        %add3A_58 = arith.constant 0 : i32
        %add3A_59 = arith.addi %add3A_58, %mul3A_57 : i32
        %add3A_60 = vector.broadcast %add3A_59 : i32 to vector<16xi32>
        %add3A_61 = arith.addi %iota3A, %add3A_60 : vector<16xi32>
        %broadcast_in_dim3A = arith.constant 0.000000e+00 : f32
        %broadcast_in_dim3A_62 = vector.broadcast %broadcast_in_dim3A : f32 to vector<16xf32>
        %scan3A_63 = arith.constant 0 : i32
        %scan3A_64 = arith.constant 240 : i32
        %scan3A_65 = arith.addi %scan3A_63, %scan3A_64 : i32
        %scan3A_66 = arith.constant 16 : i32
        %scan3A_67 = scf.for %scan3A_356 = %scan3A_63 to %scan3A_65 step %scan3A_66 iter_args(%scan3A_357 = %broadcast_in_dim3A_62) -> (vector<16xf32>)  : i32 {
          %mul3A_358 = arith.constant 1 : i32
          %mul3A_359 = arith.muli %scan3A_356, %mul3A_358 : i32
          %add3A_360 = arith.constant 0 : i32
          %add3A_361 = arith.addi %add3A_360, %mul3A_359 : i32
          %add3A_362 = vector.broadcast %add3A_361 : i32 to vector<16xi32>
          %add3A_363 = arith.addi %iota3A, %add3A_362 : vector<16xi32>
          %gather3A_364 = tpu.vector_load_idx %arg8[%add3A_61, %add3A_363] : memref<64x256xf32, #tpu.memory_space<vmem>>[vector<16xi32>, vector<16xi32>], vector<16xf32>,
          %gather3A_365 = tpu.vector_load_idx %arg10[%add3A_61, %add3A_363] : memref<64x256xf32, #tpu.memory_space<vmem>>[vector<16xi32>, vector<16xi32>], vector<16xf32>,
          %mul3A_366 = arith.mulf %gather3A_364, %gather3A_365 : vector<16xf32>
          %add3A_367 = arith.addf %scan3A_357, %mul3A_366 : vector<16xf32>
          %scan3A_368 = arith.constant 1 : i32
          %scan3A_369 = arith.addi %scan3A_356, %scan3A_368 : i32
          %mul3A_370 = arith.constant 1 : i32
          %mul3A_371 = arith.muli %scan3A_369, %mul3A_370 : i32
          %add3A_372 = arith.constant 0 : i32
          %add3A_373 = arith.addi %add3A_372, %mul3A_371 : i32
          %add3A_374 = vector.broadcast %add3A_373 : i32 to vector<16xi32>
          %add3A_375 = arith.addi %iota3A, %add3A_374 : vector<16xi32>
          %gather3A_376 = tpu.vector_load_idx %arg8[%add3A_61, %add3A_375] : memref<64x256xf32, #tpu.memory_space<vmem>>[vector<16xi32>, vector<16xi32>], vector<16xf32>,
          %gather3A_377 = tpu.vector_load_idx %arg10[%add3A_61, %add3A_375] : memref<64x256xf32, #tpu.memory_space<vmem>>[vector<16xi32>, vector<16xi32>], vector<16xf32>,
          %mul3A_378 = arith.mulf %gather3A_376, %gather3A_377 : vector<16xf32>
          %add3A_379 = arith.addf %add3A_367, %mul3A_378 : vector<16xf32>
          %scan3A_380 = arith.constant 2 : i32
          %scan3A_381 = arith.addi %scan3A_356, %scan3A_380 : i32
          %mul3A_382 = arith.constant 1 : i32
          %mul3A_383 = arith.muli %scan3A_381, %mul3A_382 : i32
          %add3A_384 = arith.constant 0 : i32
          %add3A_385 = arith.addi %add3A_384, %mul3A_383 : i32
          %add3A_386 = vector.broadcast %add3A_385 : i32 to vector<16xi32>
          %add3A_387 = arith.addi %iota3A, %add3A_386 : vector<16xi32>
          %gather3A_388 = tpu.vector_load_idx %arg8[%add3A_61, %add3A_387] : memref<64x256xf32, #tpu.memory_space<vmem>>[vector<16xi32>, vector<16xi32>], vector<16xf32>,
          %gather3A_389 = tpu.vector_load_idx %arg10[%add3A_61, %add3A_387] : memref<64x256xf32, #tpu.memory_space<vmem>>[vector<16xi32>, vector<16xi32>], vector<16xf32>,
          %mul3A_390 = arith.mulf %gather3A_388, %gather3A_389 : vector<16xf32>
          %add3A_391 = arith.addf %add3A_379, %mul3A_390 : vector<16xf32>
          %scan3A_392 = arith.constant 3 : i32
          %scan3A_393 = arith.addi %scan3A_356, %scan3A_392 : i32
          %mul3A_394 = arith.constant 1 : i32
          %mul3A_395 = arith.muli %scan3A_393, %mul3A_394 : i32
          %add3A_396 = arith.constant 0 : i32
          %add3A_397 = arith.addi %add3A_396, %mul3A_395 : i32
          %add3A_398 = vector.broadcast %add3A_397 : i32 to vector<16xi32>
          %add3A_399 = arith.addi %iota3A, %add3A_398 : vector<16xi32>
          %gather3A_400 = tpu.vector_load_idx %arg8[%add3A_61, %add3A_399] : memref<64x256xf32, #tpu.memory_space<vmem>>[vector<16xi32>, vector<16xi32>], vector<16xf32>,
          %gather3A_401 = tpu.vector_load_idx %arg10[%add3A_61, %add3A_399] : memref<64x256xf32, #tpu.memory_space<vmem>>[vector<16xi32>, vector<16xi32>], vector<16xf32>,
          %mul3A_402 = arith.mulf %gather3A_400, %gather3A_401 : vector<16xf32>
          %add3A_403 = arith.addf %add3A_391, %mul3A_402 : vector<16xf32>
          %scan3A_404 = arith.constant 4 : i32
          %scan3A_405 = arith.addi %scan3A_356, %scan3A_404 : i32
          %mul3A_406 = arith.constant 1 : i32
          %mul3A_407 = arith.muli %scan3A_405, %mul3A_406 : i32
          %add3A_408 = arith.constant 0 : i32
          %add3A_409 = arith.addi %add3A_408, %mul3A_407 : i32
          %add3A_410 = vector.broadcast %add3A_409 : i32 to vector<16xi32>
          %add3A_411 = arith.addi %iota3A, %add3A_410 : vector<16xi32>
          %gather3A_412 = tpu.vector_load_idx %arg8[%add3A_61, %add3A_411] : memref<64x256xf32, #tpu.memory_space<vmem>>[vector<16xi32>, vector<16xi32>], vector<16xf32>,
          %gather3A_413 = tpu.vector_load_idx %arg10[%add3A_61, %add3A_411] : memref<64x256xf32, #tpu.memory_space<vmem>>[vector<16xi32>, vector<16xi32>], vector<16xf32>,
          %mul3A_414 = arith.mulf %gather3A_412, %gather3A_413 : vector<16xf32>
          %add3A_415 = arith.addf %add3A_403, %mul3A_414 : vector<16xf32>
          %scan3A_416 = arith.constant 5 : i32
          %scan3A_417 = arith.addi %scan3A_356, %scan3A_416 : i32
          %mul3A_418 = arith.constant 1 : i32
          %mul3A_419 = arith.muli %scan3A_417, %mul3A_418 : i32
          %add3A_420 = arith.constant 0 : i32
          %add3A_421 = arith.addi %add3A_420, %mul3A_419 : i32
          %add3A_422 = vector.broadcast %add3A_421 : i32 to vector<16xi32>
          %add3A_423 = arith.addi %iota3A, %add3A_422 : vector<16xi32>
          %gather3A_424 = tpu.vector_load_idx %arg8[%add3A_61, %add3A_423] : memref<64x256xf32, #tpu.memory_space<vmem>>[vector<16xi32>, vector<16xi32>], vector<16xf32>,
          %gather3A_425 = tpu.vector_load_idx %arg10[%add3A_61, %add3A_423] : memref<64x256xf32, #tpu.memory_space<vmem>>[vector<16xi32>, vector<16xi32>], vector<16xf32>,
          %mul3A_426 = arith.mulf %gather3A_424, %gather3A_425 : vector<16xf32>
          %add3A_427 = arith.addf %add3A_415, %mul3A_426 : vector<16xf32>
          %scan3A_428 = arith.constant 6 : i32
          %scan3A_429 = arith.addi %scan3A_356, %scan3A_428 : i32
          %mul3A_430 = arith.constant 1 : i32
          %mul3A_431 = arith.muli %scan3A_429, %mul3A_430 : i32
          %add3A_432 = arith.constant 0 : i32
          %add3A_433 = arith.addi %add3A_432, %mul3A_431 : i32
          %add3A_434 = vector.broadcast %add3A_433 : i32 to vector<16xi32>
          %add3A_435 = arith.addi %iota3A, %add3A_434 : vector<16xi32>
          %gather3A_436 = tpu.vector_load_idx %arg8[%add3A_61, %add3A_435] : memref<64x256xf32, #tpu.memory_space<vmem>>[vector<16xi32>, vector<16xi32>], vector<16xf32>,
          %gather3A_437 = tpu.vector_load_idx %arg10[%add3A_61, %add3A_435] : memref<64x256xf32, #tpu.memory_space<vmem>>[vector<16xi32>, vector<16xi32>], vector<16xf32>,
          %mul3A_438 = arith.mulf %gather3A_436, %gather3A_437 : vector<16xf32>
          %add3A_439 = arith.addf %add3A_427, %mul3A_438 : vector<16xf32>
          %scan3A_440 = arith.constant 7 : i32
          %scan3A_441 = arith.addi %scan3A_356, %scan3A_440 : i32
          %mul3A_442 = arith.constant 1 : i32
          %mul3A_443 = arith.muli %scan3A_441, %mul3A_442 : i32
          %add3A_444 = arith.constant 0 : i32
          %add3A_445 = arith.addi %add3A_444, %mul3A_443 : i32
          %add3A_446 = vector.broadcast %add3A_445 : i32 to vector<16xi32>
          %add3A_447 = arith.addi %iota3A, %add3A_446 : vector<16xi32>
          %gather3A_448 = tpu.vector_load_idx %arg8[%add3A_61, %add3A_447] : memref<64x256xf32, #tpu.memory_space<vmem>>[vector<16xi32>, vector<16xi32>], vector<16xf32>,
          %gather3A_449 = tpu.vector_load_idx %arg10[%add3A_61, %add3A_447] : memref<64x256xf32, #tpu.memory_space<vmem>>[vector<16xi32>, vector<16xi32>], vector<16xf32>,
          %mul3A_450 = arith.mulf %gather3A_448, %gather3A_449 : vector<16xf32>
          %add3A_451 = arith.addf %add3A_439, %mul3A_450 : vector<16xf32>
          %scan3A_452 = arith.constant 8 : i32
          %scan3A_453 = arith.addi %scan3A_356, %scan3A_452 : i32
          %mul3A_454 = arith.constant 1 : i32
          %mul3A_455 = arith.muli %scan3A_453, %mul3A_454 : i32
          %add3A_456 = arith.constant 0 : i32
          %add3A_457 = arith.addi %add3A_456, %mul3A_455 : i32
          %add3A_458 = vector.broadcast %add3A_457 : i32 to vector<16xi32>
          %add3A_459 = arith.addi %iota3A, %add3A_458 : vector<16xi32>
          %gather3A_460 = tpu.vector_load_idx %arg8[%add3A_61, %add3A_459] : memref<64x256xf32, #tpu.memory_space<vmem>>[vector<16xi32>, vector<16xi32>], vector<16xf32>,
          %gather3A_461 = tpu.vector_load_idx %arg10[%add3A_61, %add3A_459] : memref<64x256xf32, #tpu.memory_space<vmem>>[vector<16xi32>, vector<16xi32>], vector<16xf32>,
          %mul3A_462 = arith.mulf %gather3A_460, %gather3A_461 : vector<16xf32>
          %add3A_463 = arith.addf %add3A_451, %mul3A_462 : vector<16xf32>
          %scan3A_464 = arith.constant 9 : i32
          %scan3A_465 = arith.addi %scan3A_356, %scan3A_464 : i32
          %mul3A_466 = arith.constant 1 : i32
          %mul3A_467 = arith.muli %scan3A_465, %mul3A_466 : i32
          %add3A_468 = arith.constant 0 : i32
          %add3A_469 = arith.addi %add3A_468, %mul3A_467 : i32
          %add3A_470 = vector.broadcast %add3A_469 : i32 to vector<16xi32>
          %add3A_471 = arith.addi %iota3A, %add3A_470 : vector<16xi32>
          %gather3A_472 = tpu.vector_load_idx %arg8[%add3A_61, %add3A_471] : memref<64x256xf32, #tpu.memory_space<vmem>>[vector<16xi32>, vector<16xi32>], vector<16xf32>,
          %gather3A_473 = tpu.vector_load_idx %arg10[%add3A_61, %add3A_471] : memref<64x256xf32, #tpu.memory_space<vmem>>[vector<16xi32>, vector<16xi32>], vector<16xf32>,
          %mul3A_474 = arith.mulf %gather3A_472, %gather3A_473 : vector<16xf32>
          %add3A_475 = arith.addf %add3A_463, %mul3A_474 : vector<16xf32>
          %scan3A_476 = arith.constant 10 : i32
          %scan3A_477 = arith.addi %scan3A_356, %scan3A_476 : i32
          %mul3A_478 = arith.constant 1 : i32
          %mul3A_479 = arith.muli %scan3A_477, %mul3A_478 : i32
          %add3A_480 = arith.constant 0 : i32
          %add3A_481 = arith.addi %add3A_480, %mul3A_479 : i32
          %add3A_482 = vector.broadcast %add3A_481 : i32 to vector<16xi32>
          %add3A_483 = arith.addi %iota3A, %add3A_482 : vector<16xi32>
          %gather3A_484 = tpu.vector_load_idx %arg8[%add3A_61, %add3A_483] : memref<64x256xf32, #tpu.memory_space<vmem>>[vector<16xi32>, vector<16xi32>], vector<16xf32>,
          %gather3A_485 = tpu.vector_load_idx %arg10[%add3A_61, %add3A_483] : memref<64x256xf32, #tpu.memory_space<vmem>>[vector<16xi32>, vector<16xi32>], vector<16xf32>,
          %mul3A_486 = arith.mulf %gather3A_484, %gather3A_485 : vector<16xf32>
          %add3A_487 = arith.addf %add3A_475, %mul3A_486 : vector<16xf32>
          %scan3A_488 = arith.constant 11 : i32
          %scan3A_489 = arith.addi %scan3A_356, %scan3A_488 : i32
          %mul3A_490 = arith.constant 1 : i32
          %mul3A_491 = arith.muli %scan3A_489, %mul3A_490 : i32
          %add3A_492 = arith.constant 0 : i32
          %add3A_493 = arith.addi %add3A_492, %mul3A_491 : i32
          %add3A_494 = vector.broadcast %add3A_493 : i32 to vector<16xi32>
          %add3A_495 = arith.addi %iota3A, %add3A_494 : vector<16xi32>
          %gather3A_496 = tpu.vector_load_idx %arg8[%add3A_61, %add3A_495] : memref<64x256xf32, #tpu.memory_space<vmem>>[vector<16xi32>, vector<16xi32>], vector<16xf32>,
          %gather3A_497 = tpu.vector_load_idx %arg10[%add3A_61, %add3A_495] : memref<64x256xf32, #tpu.memory_space<vmem>>[vector<16xi32>, vector<16xi32>], vector<16xf32>,
          %mul3A_498 = arith.mulf %gather3A_496, %gather3A_497 : vector<16xf32>
          %add3A_499 = arith.addf %add3A_487, %mul3A_498 : vector<16xf32>
          %scan3A_500 = arith.constant 12 : i32
          %scan3A_501 = arith.addi %scan3A_356, %scan3A_500 : i32
          %mul3A_502 = arith.constant 1 : i32
          %mul3A_503 = arith.muli %scan3A_501, %mul3A_502 : i32
          %add3A_504 = arith.constant 0 : i32
          %add3A_505 = arith.addi %add3A_504, %mul3A_503 : i32
          %add3A_506 = vector.broadcast %add3A_505 : i32 to vector<16xi32>
          %add3A_507 = arith.addi %iota3A, %add3A_506 : vector<16xi32>
          %gather3A_508 = tpu.vector_load_idx %arg8[%add3A_61, %add3A_507] : memref<64x256xf32, #tpu.memory_space<vmem>>[vector<16xi32>, vector<16xi32>], vector<16xf32>,
          %gather3A_509 = tpu.vector_load_idx %arg10[%add3A_61, %add3A_507] : memref<64x256xf32, #tpu.memory_space<vmem>>[vector<16xi32>, vector<16xi32>], vector<16xf32>,
          %mul3A_510 = arith.mulf %gather3A_508, %gather3A_509 : vector<16xf32>
          %add3A_511 = arith.addf %add3A_499, %mul3A_510 : vector<16xf32>
          %scan3A_512 = arith.constant 13 : i32
          %scan3A_513 = arith.addi %scan3A_356, %scan3A_512 : i32
          %mul3A_514 = arith.constant 1 : i32
          %mul3A_515 = arith.muli %scan3A_513, %mul3A_514 : i32
          %add3A_516 = arith.constant 0 : i32
          %add3A_517 = arith.addi %add3A_516, %mul3A_515 : i32
          %add3A_518 = vector.broadcast %add3A_517 : i32 to vector<16xi32>
          %add3A_519 = arith.addi %iota3A, %add3A_518 : vector<16xi32>
          %gather3A_520 = tpu.vector_load_idx %arg8[%add3A_61, %add3A_519] : memref<64x256xf32, #tpu.memory_space<vmem>>[vector<16xi32>, vector<16xi32>], vector<16xf32>,
          %gather3A_521 = tpu.vector_load_idx %arg10[%add3A_61, %add3A_519] : memref<64x256xf32, #tpu.memory_space<vmem>>[vector<16xi32>, vector<16xi32>], vector<16xf32>,
          %mul3A_522 = arith.mulf %gather3A_520, %gather3A_521 : vector<16xf32>
          %add3A_523 = arith.addf %add3A_511, %mul3A_522 : vector<16xf32>
          %scan3A_524 = arith.constant 14 : i32
          %scan3A_525 = arith.addi %scan3A_356, %scan3A_524 : i32
          %mul3A_526 = arith.constant 1 : i32
          %mul3A_527 = arith.muli %scan3A_525, %mul3A_526 : i32
          %add3A_528 = arith.constant 0 : i32
          %add3A_529 = arith.addi %add3A_528, %mul3A_527 : i32
          %add3A_530 = vector.broadcast %add3A_529 : i32 to vector<16xi32>
          %add3A_531 = arith.addi %iota3A, %add3A_530 : vector<16xi32>
          %gather3A_532 = tpu.vector_load_idx %arg8[%add3A_61, %add3A_531] : memref<64x256xf32, #tpu.memory_space<vmem>>[vector<16xi32>, vector<16xi32>], vector<16xf32>,
          %gather3A_533 = tpu.vector_load_idx %arg10[%add3A_61, %add3A_531] : memref<64x256xf32, #tpu.memory_space<vmem>>[vector<16xi32>, vector<16xi32>], vector<16xf32>,
          %mul3A_534 = arith.mulf %gather3A_532, %gather3A_533 : vector<16xf32>
          %add3A_535 = arith.addf %add3A_523, %mul3A_534 : vector<16xf32>
          %scan3A_536 = arith.constant 15 : i32
          %scan3A_537 = arith.addi %scan3A_356, %scan3A_536 : i32
          %mul3A_538 = arith.constant 1 : i32
          %mul3A_539 = arith.muli %scan3A_537, %mul3A_538 : i32
          %add3A_540 = arith.constant 0 : i32
          %add3A_541 = arith.addi %add3A_540, %mul3A_539 : i32
          %add3A_542 = vector.broadcast %add3A_541 : i32 to vector<16xi32>
          %add3A_543 = arith.addi %iota3A, %add3A_542 : vector<16xi32>
          %gather3A_544 = tpu.vector_load_idx %arg8[%add3A_61, %add3A_543] : memref<64x256xf32, #tpu.memory_space<vmem>>[vector<16xi32>, vector<16xi32>], vector<16xf32>,
          %gather3A_545 = tpu.vector_load_idx %arg10[%add3A_61, %add3A_543] : memref<64x256xf32, #tpu.memory_space<vmem>>[vector<16xi32>, vector<16xi32>], vector<16xf32>,
          %mul3A_546 = arith.mulf %gather3A_544, %gather3A_545 : vector<16xf32>
          %add3A_547 = arith.addf %add3A_535, %mul3A_546 : vector<16xf32>
          scf.yield %add3A_547 : vector<16xf32>
        }
        %scan3A_68 = arith.constant 240 : i32
        %scan3A_69 = arith.constant 0 : i32
        %mul3A_70 = arith.constant 1 : i32
        %mul3A_71 = arith.muli %scan3A_69, %mul3A_70 : i32
        %add3A_72 = arith.constant 240 : i32
        %add3A_73 = arith.addi %add3A_72, %mul3A_71 : i32
        %add3A_74 = vector.broadcast %add3A_73 : i32 to vector<16xi32>
        %add3A_75 = arith.addi %iota3A, %add3A_74 : vector<16xi32>
        %ge3A = arith.constant 256 : i32
        %ge3A_76 = vector.broadcast %ge3A : i32 to vector<16xi32>
        %ge3A_77 = arith.cmpi sge, %add3A_75, %ge3A_76 : vector<16xi32>
        %sub3A = arith.constant 256 : i32
        %sub3A_78 = vector.broadcast %sub3A : i32 to vector<16xi32>
        %sub3A_79 = arith.subi %add3A_75, %sub3A_78 : vector<16xi32>
        %select_n3A = arith.select %ge3A_77, %sub3A_79, %add3A_75 : vector<16xi1>, vector<16xi32>
        %gather3A = tpu.vector_load_idx %arg8[%add3A_61, %select_n3A] : memref<64x256xf32, #tpu.memory_space<vmem>>[vector<16xi32>, vector<16xi32>], vector<16xf32>,
        %gather3A_80 = tpu.vector_load_idx %arg10[%add3A_61, %select_n3A] : memref<64x256xf32, #tpu.memory_space<vmem>>[vector<16xi32>, vector<16xi32>], vector<16xf32>,
        %mul3A_81 = arith.mulf %gather3A, %gather3A_80 : vector<16xf32>
        %add3A_82 = arith.addf %scan3A_67, %mul3A_81 : vector<16xf32>
        %scan3A_83 = arith.constant 1 : i32
        %mul3A_84 = arith.constant 1 : i32
        %mul3A_85 = arith.muli %scan3A_83, %mul3A_84 : i32
        %add3A_86 = arith.constant 240 : i32
        %add3A_87 = arith.addi %add3A_86, %mul3A_85 : i32
        %add3A_88 = vector.broadcast %add3A_87 : i32 to vector<16xi32>
        %add3A_89 = arith.addi %iota3A, %add3A_88 : vector<16xi32>
        %ge3A_90 = arith.constant 256 : i32
        %ge3A_91 = vector.broadcast %ge3A_90 : i32 to vector<16xi32>
        %ge3A_92 = arith.cmpi sge, %add3A_89, %ge3A_91 : vector<16xi32>
        %sub3A_93 = arith.constant 256 : i32
        %sub3A_94 = vector.broadcast %sub3A_93 : i32 to vector<16xi32>
        %sub3A_95 = arith.subi %add3A_89, %sub3A_94 : vector<16xi32>
        %select_n3A_96 = arith.select %ge3A_92, %sub3A_95, %add3A_89 : vector<16xi1>, vector<16xi32>
        %gather3A_97 = tpu.vector_load_idx %arg8[%add3A_61, %select_n3A_96] : memref<64x256xf32, #tpu.memory_space<vmem>>[vector<16xi32>, vector<16xi32>], vector<16xf32>,
        %gather3A_98 = tpu.vector_load_idx %arg10[%add3A_61, %select_n3A_96] : memref<64x256xf32, #tpu.memory_space<vmem>>[vector<16xi32>, vector<16xi32>], vector<16xf32>,
        %mul3A_99 = arith.mulf %gather3A_97, %gather3A_98 : vector<16xf32>
        %add3A_100 = arith.addf %add3A_82, %mul3A_99 : vector<16xf32>
        %scan3A_101 = arith.constant 2 : i32
        %mul3A_102 = arith.constant 1 : i32
        %mul3A_103 = arith.muli %scan3A_101, %mul3A_102 : i32
        %add3A_104 = arith.constant 240 : i32
        %add3A_105 = arith.addi %add3A_104, %mul3A_103 : i32
        %add3A_106 = vector.broadcast %add3A_105 : i32 to vector<16xi32>
        %add3A_107 = arith.addi %iota3A, %add3A_106 : vector<16xi32>
        %ge3A_108 = arith.constant 256 : i32
        %ge3A_109 = vector.broadcast %ge3A_108 : i32 to vector<16xi32>
        %ge3A_110 = arith.cmpi sge, %add3A_107, %ge3A_109 : vector<16xi32>
        %sub3A_111 = arith.constant 256 : i32
        %sub3A_112 = vector.broadcast %sub3A_111 : i32 to vector<16xi32>
        %sub3A_113 = arith.subi %add3A_107, %sub3A_112 : vector<16xi32>
        %select_n3A_114 = arith.select %ge3A_110, %sub3A_113, %add3A_107 : vector<16xi1>, vector<16xi32>
        %gather3A_115 = tpu.vector_load_idx %arg8[%add3A_61, %select_n3A_114] : memref<64x256xf32, #tpu.memory_space<vmem>>[vector<16xi32>, vector<16xi32>], vector<16xf32>,
        %gather3A_116 = tpu.vector_load_idx %arg10[%add3A_61, %select_n3A_114] : memref<64x256xf32, #tpu.memory_space<vmem>>[vector<16xi32>, vector<16xi32>], vector<16xf32>,
        %mul3A_117 = arith.mulf %gather3A_115, %gather3A_116 : vector<16xf32>
        %add3A_118 = arith.addf %add3A_100, %mul3A_117 : vector<16xf32>
        %scan3A_119 = arith.constant 3 : i32
        %mul3A_120 = arith.constant 1 : i32
        %mul3A_121 = arith.muli %scan3A_119, %mul3A_120 : i32
        %add3A_122 = arith.constant 240 : i32
        %add3A_123 = arith.addi %add3A_122, %mul3A_121 : i32
        %add3A_124 = vector.broadcast %add3A_123 : i32 to vector<16xi32>
        %add3A_125 = arith.addi %iota3A, %add3A_124 : vector<16xi32>
        %ge3A_126 = arith.constant 256 : i32
        %ge3A_127 = vector.broadcast %ge3A_126 : i32 to vector<16xi32>
        %ge3A_128 = arith.cmpi sge, %add3A_125, %ge3A_127 : vector<16xi32>
        %sub3A_129 = arith.constant 256 : i32
        %sub3A_130 = vector.broadcast %sub3A_129 : i32 to vector<16xi32>
        %sub3A_131 = arith.subi %add3A_125, %sub3A_130 : vector<16xi32>
        %select_n3A_132 = arith.select %ge3A_128, %sub3A_131, %add3A_125 : vector<16xi1>, vector<16xi32>
        %gather3A_133 = tpu.vector_load_idx %arg8[%add3A_61, %select_n3A_132] : memref<64x256xf32, #tpu.memory_space<vmem>>[vector<16xi32>, vector<16xi32>], vector<16xf32>,
        %gather3A_134 = tpu.vector_load_idx %arg10[%add3A_61, %select_n3A_132] : memref<64x256xf32, #tpu.memory_space<vmem>>[vector<16xi32>, vector<16xi32>], vector<16xf32>,
        %mul3A_135 = arith.mulf %gather3A_133, %gather3A_134 : vector<16xf32>
        %add3A_136 = arith.addf %add3A_118, %mul3A_135 : vector<16xf32>
        %scan3A_137 = arith.constant 4 : i32
        %mul3A_138 = arith.constant 1 : i32
        %mul3A_139 = arith.muli %scan3A_137, %mul3A_138 : i32
        %add3A_140 = arith.constant 240 : i32
        %add3A_141 = arith.addi %add3A_140, %mul3A_139 : i32
        %add3A_142 = vector.broadcast %add3A_141 : i32 to vector<16xi32>
        %add3A_143 = arith.addi %iota3A, %add3A_142 : vector<16xi32>
        %ge3A_144 = arith.constant 256 : i32
        %ge3A_145 = vector.broadcast %ge3A_144 : i32 to vector<16xi32>
        %ge3A_146 = arith.cmpi sge, %add3A_143, %ge3A_145 : vector<16xi32>
        %sub3A_147 = arith.constant 256 : i32
        %sub3A_148 = vector.broadcast %sub3A_147 : i32 to vector<16xi32>
        %sub3A_149 = arith.subi %add3A_143, %sub3A_148 : vector<16xi32>
        %select_n3A_150 = arith.select %ge3A_146, %sub3A_149, %add3A_143 : vector<16xi1>, vector<16xi32>
        %gather3A_151 = tpu.vector_load_idx %arg8[%add3A_61, %select_n3A_150] : memref<64x256xf32, #tpu.memory_space<vmem>>[vector<16xi32>, vector<16xi32>], vector<16xf32>,
        %gather3A_152 = tpu.vector_load_idx %arg10[%add3A_61, %select_n3A_150] : memref<64x256xf32, #tpu.memory_space<vmem>>[vector<16xi32>, vector<16xi32>], vector<16xf32>,
        %mul3A_153 = arith.mulf %gather3A_151, %gather3A_152 : vector<16xf32>
        %add3A_154 = arith.addf %add3A_136, %mul3A_153 : vector<16xf32>
        %scan3A_155 = arith.constant 5 : i32
        %mul3A_156 = arith.constant 1 : i32
        %mul3A_157 = arith.muli %scan3A_155, %mul3A_156 : i32
        %add3A_158 = arith.constant 240 : i32
        %add3A_159 = arith.addi %add3A_158, %mul3A_157 : i32
        %add3A_160 = vector.broadcast %add3A_159 : i32 to vector<16xi32>
        %add3A_161 = arith.addi %iota3A, %add3A_160 : vector<16xi32>
        %ge3A_162 = arith.constant 256 : i32
        %ge3A_163 = vector.broadcast %ge3A_162 : i32 to vector<16xi32>
        %ge3A_164 = arith.cmpi sge, %add3A_161, %ge3A_163 : vector<16xi32>
        %sub3A_165 = arith.constant 256 : i32
        %sub3A_166 = vector.broadcast %sub3A_165 : i32 to vector<16xi32>
        %sub3A_167 = arith.subi %add3A_161, %sub3A_166 : vector<16xi32>
        %select_n3A_168 = arith.select %ge3A_164, %sub3A_167, %add3A_161 : vector<16xi1>, vector<16xi32>
        %gather3A_169 = tpu.vector_load_idx %arg8[%add3A_61, %select_n3A_168] : memref<64x256xf32, #tpu.memory_space<vmem>>[vector<16xi32>, vector<16xi32>], vector<16xf32>,
        %gather3A_170 = tpu.vector_load_idx %arg10[%add3A_61, %select_n3A_168] : memref<64x256xf32, #tpu.memory_space<vmem>>[vector<16xi32>, vector<16xi32>], vector<16xf32>,
        %mul3A_171 = arith.mulf %gather3A_169, %gather3A_170 : vector<16xf32>
        %add3A_172 = arith.addf %add3A_154, %mul3A_171 : vector<16xf32>
        %scan3A_173 = arith.constant 6 : i32
        %mul3A_174 = arith.constant 1 : i32
        %mul3A_175 = arith.muli %scan3A_173, %mul3A_174 : i32
        %add3A_176 = arith.constant 240 : i32
        %add3A_177 = arith.addi %add3A_176, %mul3A_175 : i32
        %add3A_178 = vector.broadcast %add3A_177 : i32 to vector<16xi32>
        %add3A_179 = arith.addi %iota3A, %add3A_178 : vector<16xi32>
        %ge3A_180 = arith.constant 256 : i32
        %ge3A_181 = vector.broadcast %ge3A_180 : i32 to vector<16xi32>
        %ge3A_182 = arith.cmpi sge, %add3A_179, %ge3A_181 : vector<16xi32>
        %sub3A_183 = arith.constant 256 : i32
        %sub3A_184 = vector.broadcast %sub3A_183 : i32 to vector<16xi32>
        %sub3A_185 = arith.subi %add3A_179, %sub3A_184 : vector<16xi32>
        %select_n3A_186 = arith.select %ge3A_182, %sub3A_185, %add3A_179 : vector<16xi1>, vector<16xi32>
        %gather3A_187 = tpu.vector_load_idx %arg8[%add3A_61, %select_n3A_186] : memref<64x256xf32, #tpu.memory_space<vmem>>[vector<16xi32>, vector<16xi32>], vector<16xf32>,
        %gather3A_188 = tpu.vector_load_idx %arg10[%add3A_61, %select_n3A_186] : memref<64x256xf32, #tpu.memory_space<vmem>>[vector<16xi32>, vector<16xi32>], vector<16xf32>,
        %mul3A_189 = arith.mulf %gather3A_187, %gather3A_188 : vector<16xf32>
        %add3A_190 = arith.addf %add3A_172, %mul3A_189 : vector<16xf32>
        %scan3A_191 = arith.constant 7 : i32
        %mul3A_192 = arith.constant 1 : i32
        %mul3A_193 = arith.muli %scan3A_191, %mul3A_192 : i32
        %add3A_194 = arith.constant 240 : i32
        %add3A_195 = arith.addi %add3A_194, %mul3A_193 : i32
        %add3A_196 = vector.broadcast %add3A_195 : i32 to vector<16xi32>
        %add3A_197 = arith.addi %iota3A, %add3A_196 : vector<16xi32>
        %ge3A_198 = arith.constant 256 : i32
        %ge3A_199 = vector.broadcast %ge3A_198 : i32 to vector<16xi32>
        %ge3A_200 = arith.cmpi sge, %add3A_197, %ge3A_199 : vector<16xi32>
        %sub3A_201 = arith.constant 256 : i32
        %sub3A_202 = vector.broadcast %sub3A_201 : i32 to vector<16xi32>
        %sub3A_203 = arith.subi %add3A_197, %sub3A_202 : vector<16xi32>
        %select_n3A_204 = arith.select %ge3A_200, %sub3A_203, %add3A_197 : vector<16xi1>, vector<16xi32>
        %gather3A_205 = tpu.vector_load_idx %arg8[%add3A_61, %select_n3A_204] : memref<64x256xf32, #tpu.memory_space<vmem>>[vector<16xi32>, vector<16xi32>], vector<16xf32>,
        %gather3A_206 = tpu.vector_load_idx %arg10[%add3A_61, %select_n3A_204] : memref<64x256xf32, #tpu.memory_space<vmem>>[vector<16xi32>, vector<16xi32>], vector<16xf32>,
        %mul3A_207 = arith.mulf %gather3A_205, %gather3A_206 : vector<16xf32>
        %add3A_208 = arith.addf %add3A_190, %mul3A_207 : vector<16xf32>
        %scan3A_209 = arith.constant 8 : i32
        %mul3A_210 = arith.constant 1 : i32
        %mul3A_211 = arith.muli %scan3A_209, %mul3A_210 : i32
        %add3A_212 = arith.constant 240 : i32
        %add3A_213 = arith.addi %add3A_212, %mul3A_211 : i32
        %add3A_214 = vector.broadcast %add3A_213 : i32 to vector<16xi32>
        %add3A_215 = arith.addi %iota3A, %add3A_214 : vector<16xi32>
        %ge3A_216 = arith.constant 256 : i32
        %ge3A_217 = vector.broadcast %ge3A_216 : i32 to vector<16xi32>
        %ge3A_218 = arith.cmpi sge, %add3A_215, %ge3A_217 : vector<16xi32>
        %sub3A_219 = arith.constant 256 : i32
        %sub3A_220 = vector.broadcast %sub3A_219 : i32 to vector<16xi32>
        %sub3A_221 = arith.subi %add3A_215, %sub3A_220 : vector<16xi32>
        %select_n3A_222 = arith.select %ge3A_218, %sub3A_221, %add3A_215 : vector<16xi1>, vector<16xi32>
        %gather3A_223 = tpu.vector_load_idx %arg8[%add3A_61, %select_n3A_222] : memref<64x256xf32, #tpu.memory_space<vmem>>[vector<16xi32>, vector<16xi32>], vector<16xf32>,
        %gather3A_224 = tpu.vector_load_idx %arg10[%add3A_61, %select_n3A_222] : memref<64x256xf32, #tpu.memory_space<vmem>>[vector<16xi32>, vector<16xi32>], vector<16xf32>,
        %mul3A_225 = arith.mulf %gather3A_223, %gather3A_224 : vector<16xf32>
        %add3A_226 = arith.addf %add3A_208, %mul3A_225 : vector<16xf32>
        %scan3A_227 = arith.constant 9 : i32
        %mul3A_228 = arith.constant 1 : i32
        %mul3A_229 = arith.muli %scan3A_227, %mul3A_228 : i32
        %add3A_230 = arith.constant 240 : i32
        %add3A_231 = arith.addi %add3A_230, %mul3A_229 : i32
        %add3A_232 = vector.broadcast %add3A_231 : i32 to vector<16xi32>
        %add3A_233 = arith.addi %iota3A, %add3A_232 : vector<16xi32>
        %ge3A_234 = arith.constant 256 : i32
        %ge3A_235 = vector.broadcast %ge3A_234 : i32 to vector<16xi32>
        %ge3A_236 = arith.cmpi sge, %add3A_233, %ge3A_235 : vector<16xi32>
        %sub3A_237 = arith.constant 256 : i32
        %sub3A_238 = vector.broadcast %sub3A_237 : i32 to vector<16xi32>
        %sub3A_239 = arith.subi %add3A_233, %sub3A_238 : vector<16xi32>
        %select_n3A_240 = arith.select %ge3A_236, %sub3A_239, %add3A_233 : vector<16xi1>, vector<16xi32>
        %gather3A_241 = tpu.vector_load_idx %arg8[%add3A_61, %select_n3A_240] : memref<64x256xf32, #tpu.memory_space<vmem>>[vector<16xi32>, vector<16xi32>], vector<16xf32>,
        %gather3A_242 = tpu.vector_load_idx %arg10[%add3A_61, %select_n3A_240] : memref<64x256xf32, #tpu.memory_space<vmem>>[vector<16xi32>, vector<16xi32>], vector<16xf32>,
        %mul3A_243 = arith.mulf %gather3A_241, %gather3A_242 : vector<16xf32>
        %add3A_244 = arith.addf %add3A_226, %mul3A_243 : vector<16xf32>
        %scan3A_245 = arith.constant 10 : i32
        %mul3A_246 = arith.constant 1 : i32
        %mul3A_247 = arith.muli %scan3A_245, %mul3A_246 : i32
        %add3A_248 = arith.constant 240 : i32
        %add3A_249 = arith.addi %add3A_248, %mul3A_247 : i32
        %add3A_250 = vector.broadcast %add3A_249 : i32 to vector<16xi32>
        %add3A_251 = arith.addi %iota3A, %add3A_250 : vector<16xi32>
        %ge3A_252 = arith.constant 256 : i32
        %ge3A_253 = vector.broadcast %ge3A_252 : i32 to vector<16xi32>
        %ge3A_254 = arith.cmpi sge, %add3A_251, %ge3A_253 : vector<16xi32>
        %sub3A_255 = arith.constant 256 : i32
        %sub3A_256 = vector.broadcast %sub3A_255 : i32 to vector<16xi32>
        %sub3A_257 = arith.subi %add3A_251, %sub3A_256 : vector<16xi32>
        %select_n3A_258 = arith.select %ge3A_254, %sub3A_257, %add3A_251 : vector<16xi1>, vector<16xi32>
        %gather3A_259 = tpu.vector_load_idx %arg8[%add3A_61, %select_n3A_258] : memref<64x256xf32, #tpu.memory_space<vmem>>[vector<16xi32>, vector<16xi32>], vector<16xf32>,
        %gather3A_260 = tpu.vector_load_idx %arg10[%add3A_61, %select_n3A_258] : memref<64x256xf32, #tpu.memory_space<vmem>>[vector<16xi32>, vector<16xi32>], vector<16xf32>,
        %mul3A_261 = arith.mulf %gather3A_259, %gather3A_260 : vector<16xf32>
        %add3A_262 = arith.addf %add3A_244, %mul3A_261 : vector<16xf32>
        %scan3A_263 = arith.constant 11 : i32
        %mul3A_264 = arith.constant 1 : i32
        %mul3A_265 = arith.muli %scan3A_263, %mul3A_264 : i32
        %add3A_266 = arith.constant 240 : i32
        %add3A_267 = arith.addi %add3A_266, %mul3A_265 : i32
        %add3A_268 = vector.broadcast %add3A_267 : i32 to vector<16xi32>
        %add3A_269 = arith.addi %iota3A, %add3A_268 : vector<16xi32>
        %ge3A_270 = arith.constant 256 : i32
        %ge3A_271 = vector.broadcast %ge3A_270 : i32 to vector<16xi32>
        %ge3A_272 = arith.cmpi sge, %add3A_269, %ge3A_271 : vector<16xi32>
        %sub3A_273 = arith.constant 256 : i32
        %sub3A_274 = vector.broadcast %sub3A_273 : i32 to vector<16xi32>
        %sub3A_275 = arith.subi %add3A_269, %sub3A_274 : vector<16xi32>
        %select_n3A_276 = arith.select %ge3A_272, %sub3A_275, %add3A_269 : vector<16xi1>, vector<16xi32>
        %gather3A_277 = tpu.vector_load_idx %arg8[%add3A_61, %select_n3A_276] : memref<64x256xf32, #tpu.memory_space<vmem>>[vector<16xi32>, vector<16xi32>], vector<16xf32>,
        %gather3A_278 = tpu.vector_load_idx %arg10[%add3A_61, %select_n3A_276] : memref<64x256xf32, #tpu.memory_space<vmem>>[vector<16xi32>, vector<16xi32>], vector<16xf32>,
        %mul3A_279 = arith.mulf %gather3A_277, %gather3A_278 : vector<16xf32>
        %add3A_280 = arith.addf %add3A_262, %mul3A_279 : vector<16xf32>
        %scan3A_281 = arith.constant 12 : i32
        %mul3A_282 = arith.constant 1 : i32
        %mul3A_283 = arith.muli %scan3A_281, %mul3A_282 : i32
        %add3A_284 = arith.constant 240 : i32
        %add3A_285 = arith.addi %add3A_284, %mul3A_283 : i32
        %add3A_286 = vector.broadcast %add3A_285 : i32 to vector<16xi32>
        %add3A_287 = arith.addi %iota3A, %add3A_286 : vector<16xi32>
        %ge3A_288 = arith.constant 256 : i32
        %ge3A_289 = vector.broadcast %ge3A_288 : i32 to vector<16xi32>
        %ge3A_290 = arith.cmpi sge, %add3A_287, %ge3A_289 : vector<16xi32>
        %sub3A_291 = arith.constant 256 : i32
        %sub3A_292 = vector.broadcast %sub3A_291 : i32 to vector<16xi32>
        %sub3A_293 = arith.subi %add3A_287, %sub3A_292 : vector<16xi32>
        %select_n3A_294 = arith.select %ge3A_290, %sub3A_293, %add3A_287 : vector<16xi1>, vector<16xi32>
        %gather3A_295 = tpu.vector_load_idx %arg8[%add3A_61, %select_n3A_294] : memref<64x256xf32, #tpu.memory_space<vmem>>[vector<16xi32>, vector<16xi32>], vector<16xf32>,
        %gather3A_296 = tpu.vector_load_idx %arg10[%add3A_61, %select_n3A_294] : memref<64x256xf32, #tpu.memory_space<vmem>>[vector<16xi32>, vector<16xi32>], vector<16xf32>,
        %mul3A_297 = arith.mulf %gather3A_295, %gather3A_296 : vector<16xf32>
        %add3A_298 = arith.addf %add3A_280, %mul3A_297 : vector<16xf32>
        %scan3A_299 = arith.constant 13 : i32
        %mul3A_300 = arith.constant 1 : i32
        %mul3A_301 = arith.muli %scan3A_299, %mul3A_300 : i32
        %add3A_302 = arith.constant 240 : i32
        %add3A_303 = arith.addi %add3A_302, %mul3A_301 : i32
        %add3A_304 = vector.broadcast %add3A_303 : i32 to vector<16xi32>
        %add3A_305 = arith.addi %iota3A, %add3A_304 : vector<16xi32>
        %ge3A_306 = arith.constant 256 : i32
        %ge3A_307 = vector.broadcast %ge3A_306 : i32 to vector<16xi32>
        %ge3A_308 = arith.cmpi sge, %add3A_305, %ge3A_307 : vector<16xi32>
        %sub3A_309 = arith.constant 256 : i32
        %sub3A_310 = vector.broadcast %sub3A_309 : i32 to vector<16xi32>
        %sub3A_311 = arith.subi %add3A_305, %sub3A_310 : vector<16xi32>
        %select_n3A_312 = arith.select %ge3A_308, %sub3A_311, %add3A_305 : vector<16xi1>, vector<16xi32>
        %gather3A_313 = tpu.vector_load_idx %arg8[%add3A_61, %select_n3A_312] : memref<64x256xf32, #tpu.memory_space<vmem>>[vector<16xi32>, vector<16xi32>], vector<16xf32>,
        %gather3A_314 = tpu.vector_load_idx %arg10[%add3A_61, %select_n3A_312] : memref<64x256xf32, #tpu.memory_space<vmem>>[vector<16xi32>, vector<16xi32>], vector<16xf32>,
        %mul3A_315 = arith.mulf %gather3A_313, %gather3A_314 : vector<16xf32>
        %add3A_316 = arith.addf %add3A_298, %mul3A_315 : vector<16xf32>
        %scan3A_317 = arith.constant 14 : i32
        %mul3A_318 = arith.constant 1 : i32
        %mul3A_319 = arith.muli %scan3A_317, %mul3A_318 : i32
        %add3A_320 = arith.constant 240 : i32
        %add3A_321 = arith.addi %add3A_320, %mul3A_319 : i32
        %add3A_322 = vector.broadcast %add3A_321 : i32 to vector<16xi32>
        %add3A_323 = arith.addi %iota3A, %add3A_322 : vector<16xi32>
        %ge3A_324 = arith.constant 256 : i32
        %ge3A_325 = vector.broadcast %ge3A_324 : i32 to vector<16xi32>
        %ge3A_326 = arith.cmpi sge, %add3A_323, %ge3A_325 : vector<16xi32>
        %sub3A_327 = arith.constant 256 : i32
        %sub3A_328 = vector.broadcast %sub3A_327 : i32 to vector<16xi32>
        %sub3A_329 = arith.subi %add3A_323, %sub3A_328 : vector<16xi32>
        %select_n3A_330 = arith.select %ge3A_326, %sub3A_329, %add3A_323 : vector<16xi1>, vector<16xi32>
        %gather3A_331 = tpu.vector_load_idx %arg8[%add3A_61, %select_n3A_330] : memref<64x256xf32, #tpu.memory_space<vmem>>[vector<16xi32>, vector<16xi32>], vector<16xf32>,
        %gather3A_332 = tpu.vector_load_idx %arg10[%add3A_61, %select_n3A_330] : memref<64x256xf32, #tpu.memory_space<vmem>>[vector<16xi32>, vector<16xi32>], vector<16xf32>,
        %mul3A_333 = arith.mulf %gather3A_331, %gather3A_332 : vector<16xf32>
        %add3A_334 = arith.addf %add3A_316, %mul3A_333 : vector<16xf32>
        %scan3A_335 = arith.constant 15 : i32
        %mul3A_336 = arith.constant 1 : i32
        %mul3A_337 = arith.muli %scan3A_335, %mul3A_336 : i32
        %add3A_338 = arith.constant 240 : i32
        %add3A_339 = arith.addi %add3A_338, %mul3A_337 : i32
        %add3A_340 = vector.broadcast %add3A_339 : i32 to vector<16xi32>
        %add3A_341 = arith.addi %iota3A, %add3A_340 : vector<16xi32>
        %ge3A_342 = arith.constant 256 : i32
        %ge3A_343 = vector.broadcast %ge3A_342 : i32 to vector<16xi32>
        %ge3A_344 = arith.cmpi sge, %add3A_341, %ge3A_343 : vector<16xi32>
        %sub3A_345 = arith.constant 256 : i32
        %sub3A_346 = vector.broadcast %sub3A_345 : i32 to vector<16xi32>
        %sub3A_347 = arith.subi %add3A_341, %sub3A_346 : vector<16xi32>
        %select_n3A_348 = arith.select %ge3A_344, %sub3A_347, %add3A_341 : vector<16xi1>, vector<16xi32>
        %gather3A_349 = tpu.vector_load_idx %arg8[%add3A_61, %select_n3A_348] : memref<64x256xf32, #tpu.memory_space<vmem>>[vector<16xi32>, vector<16xi32>], vector<16xf32>,
        %gather3A_350 = tpu.vector_load_idx %arg10[%add3A_61, %select_n3A_348] : memref<64x256xf32, #tpu.memory_space<vmem>>[vector<16xi32>, vector<16xi32>], vector<16xf32>,
        %mul3A_351 = arith.mulf %gather3A_349, %gather3A_350 : vector<16xf32>
        %add3A_352 = arith.addf %add3A_334, %mul3A_351 : vector<16xf32>
        %scan3A_353 = arith.constant 16 : i32
        %add3A_354 = arith.addi %min3A_28, %add3A_59 : i32
        %swap3A = arith.index_cast %add3A_354 : i32 to index
        %swap3A_355 = tpu.vector_load %arg12[%swap3A] {strides = array<i32>} : memref<5000xf32, #tpu.memory_space<vmem>>, vector<16xf32>,
        tpu.vector_store %arg12[%swap3A], %add3A_352 {strides = array<i32>} : memref<5000xf32, #tpu.memory_space<vmem>>, vector<16xf32>,
      }
      %scan3A_40 = arith.constant 4 : i32
      %add3A_41 = arith.constant 2 : i32
      %add3A_42 = arith.addi %add3A_20, %add3A_41 : i32
      %lt3A_43 = arith.constant 79 : i32
      %lt3A_44 = arith.cmpi slt, %add3A_42, %lt3A_43 : i32
      %convert_element_type3A_45 = arith.extui %lt3A_44 : i1 to i32
      %cond3A_46 = arith.constant 0 : i32
      %cond3A_47 = arith.cmpi ne, %convert_element_type3A_45, %cond3A_46 : i32
      scf.if %cond3A_47 {
        %add3A_55 = arith.constant 2 : i32
        %add3A_56 = arith.addi %add3A_20, %add3A_55 : i32
        %mul3A_57 = arith.constant 64 : i32
        %mul3A_58 = arith.muli %add3A_56, %mul3A_57 : i32
        %min3A_59 = arith.constant 4936 : i32
        %min3A_60 = arith.minsi %mul3A_58, %min3A_59 : i32
        %dma_start3A_61 = tpu.memref_slice %arg6[%min3A_60] : memref<5000xi32, #tpu.memory_space<vmem>> -> memref<64xi32, #tpu.memory_space<vmem>>
        %dma_start3A_62 = arith.constant 0 : i32
        %dma_start3A_63 = arith.constant 0 : i32
        %dma_start3A_64 = tpu.memref_slice %arg2[%dma_start3A_62, %dma_start3A_63] : memref<10000x256xf32, #tpu.memory_space<hbm>> -> memref<10000x256xf32, #tpu.memory_space<hbm>>
        tpu.enqueue_indirect_dma source(%dma_start3A_64 : memref<10000x256xf32, #tpu.memory_space<hbm>>) target(%arg8 : memref<64x256xf32, #tpu.memory_space<vmem>>) offsets(%dma_start3A_61 : memref<64xi32, #tpu.memory_space<vmem>>) semaphore(%arg13 : memref<!tpu.dma_semaphore, #tpu.memory_space<semaphore_mem>>)
        %dma_start3A_65 = tpu.memref_slice %arg7[%min3A_60] : memref<5000xi32, #tpu.memory_space<vmem>> -> memref<64xi32, #tpu.memory_space<vmem>>
        %dma_start3A_66 = arith.constant 0 : i32
        %dma_start3A_67 = arith.constant 0 : i32
        %dma_start3A_68 = tpu.memref_slice %arg2[%dma_start3A_66, %dma_start3A_67] : memref<10000x256xf32, #tpu.memory_space<hbm>> -> memref<10000x256xf32, #tpu.memory_space<hbm>>
        tpu.enqueue_indirect_dma source(%dma_start3A_68 : memref<10000x256xf32, #tpu.memory_space<hbm>>) target(%arg10 : memref<64x256xf32, #tpu.memory_space<vmem>>) offsets(%dma_start3A_65 : memref<64xi32, #tpu.memory_space<vmem>>) semaphore(%arg13 : memref<!tpu.dma_semaphore, #tpu.memory_space<semaphore_mem>>)
      } else {
      }
      %add3A_48 = arith.constant 1 : i32
      %add3A_49 = arith.addi %add3A_20, %add3A_48 : i32
      %lt3A_50 = arith.constant 79 : i32
      %lt3A_51 = arith.cmpi slt, %add3A_49, %lt3A_50 : i32
      %convert_element_type3A_52 = arith.extui %lt3A_51 : i1 to i32
      %cond3A_53 = arith.constant 0 : i32
      %cond3A_54 = arith.cmpi ne, %convert_element_type3A_52, %cond3A_53 : i32
      scf.if %cond3A_54 {
        %add3A_55 = arith.constant 1 : i32
        %add3A_56 = arith.addi %add3A_20, %add3A_55 : i32
        %mul3A_57 = arith.constant 64 : i32
        %mul3A_58 = arith.muli %add3A_56, %mul3A_57 : i32
        %min3A_59 = arith.constant 4936 : i32
        %min3A_60 = arith.minsi %mul3A_58, %min3A_59 : i32
        %dma_wait3A_61 = tpu.memref_slice %arg6[%min3A_60] : memref<5000xi32, #tpu.memory_space<vmem>> -> memref<64xi32, #tpu.memory_space<vmem>>
        %dma_wait3A_62 = arith.constant 0 : i32
        %dma_wait3A_63 = arith.constant 0 : i32
        %dma_wait3A_64 = tpu.memref_slice %arg2[%dma_wait3A_62, %dma_wait3A_63] : memref<10000x256xf32, #tpu.memory_space<hbm>> -> memref<10000x256xf32, #tpu.memory_space<hbm>>
        tpu.wait_indirect_dma semaphore(%arg14 : memref<!tpu.dma_semaphore, #tpu.memory_space<semaphore_mem>>) src(%dma_wait3A_64 : memref<10000x256xf32, #tpu.memory_space<hbm>>) dst(%arg9 : memref<64x256xf32, #tpu.memory_space<vmem>>)
        %dma_wait3A_65 = tpu.memref_slice %arg7[%min3A_60] : memref<5000xi32, #tpu.memory_space<vmem>> -> memref<64xi32, #tpu.memory_space<vmem>>
        %dma_wait3A_66 = arith.constant 0 : i32
        %dma_wait3A_67 = arith.constant 0 : i32
        %dma_wait3A_68 = tpu.memref_slice %arg2[%dma_wait3A_66, %dma_wait3A_67] : memref<10000x256xf32, #tpu.memory_space<hbm>> -> memref<10000x256xf32, #tpu.memory_space<hbm>>
        tpu.wait_indirect_dma semaphore(%arg14 : memref<!tpu.dma_semaphore, #tpu.memory_space<semaphore_mem>>) src(%dma_wait3A_68 : memref<10000x256xf32, #tpu.memory_space<hbm>>) dst(%arg11 : memref<64x256xf32, #tpu.memory_space<vmem>>)
        %scan3A_69 = arith.constant 0 : i32
        %scan3A_70 = arith.constant 4 : i32
        %scan3A_71 = arith.addi %scan3A_69, %scan3A_70 : i32
        %scan3A_72 = arith.constant 1 : i32
        scf.for %scan3A_74 = %scan3A_69 to %scan3A_71 step %scan3A_72  : i32 {
          %mul3A_75 = arith.constant 16 : i32
          %mul3A_76 = arith.muli %scan3A_74, %mul3A_75 : i32
          %add3A_77 = arith.constant 0 : i32
          %add3A_78 = arith.addi %add3A_77, %mul3A_76 : i32
          %add3A_79 = vector.broadcast %add3A_78 : i32 to vector<16xi32>
          %add3A_80 = arith.addi %iota3A, %add3A_79 : vector<16xi32>
          %broadcast_in_dim3A = arith.constant 0.000000e+00 : f32
          %broadcast_in_dim3A_81 = vector.broadcast %broadcast_in_dim3A : f32 to vector<16xf32>
          %scan3A_82 = arith.constant 0 : i32
          %scan3A_83 = arith.constant 240 : i32
          %scan3A_84 = arith.addi %scan3A_82, %scan3A_83 : i32
          %scan3A_85 = arith.constant 16 : i32
          %scan3A_86 = scf.for %scan3A_375 = %scan3A_82 to %scan3A_84 step %scan3A_85 iter_args(%scan3A_376 = %broadcast_in_dim3A_81) -> (vector<16xf32>)  : i32 {
            %mul3A_377 = arith.constant 1 : i32
            %mul3A_378 = arith.muli %scan3A_375, %mul3A_377 : i32
            %add3A_379 = arith.constant 0 : i32
            %add3A_380 = arith.addi %add3A_379, %mul3A_378 : i32
            %add3A_381 = vector.broadcast %add3A_380 : i32 to vector<16xi32>
            %add3A_382 = arith.addi %iota3A, %add3A_381 : vector<16xi32>
            %gather3A_383 = tpu.vector_load_idx %arg9[%add3A_80, %add3A_382] : memref<64x256xf32, #tpu.memory_space<vmem>>[vector<16xi32>, vector<16xi32>], vector<16xf32>,
            %gather3A_384 = tpu.vector_load_idx %arg11[%add3A_80, %add3A_382] : memref<64x256xf32, #tpu.memory_space<vmem>>[vector<16xi32>, vector<16xi32>], vector<16xf32>,
            %mul3A_385 = arith.mulf %gather3A_383, %gather3A_384 : vector<16xf32>
            %add3A_386 = arith.addf %scan3A_376, %mul3A_385 : vector<16xf32>
            %scan3A_387 = arith.constant 1 : i32
            %scan3A_388 = arith.addi %scan3A_375, %scan3A_387 : i32
            %mul3A_389 = arith.constant 1 : i32
            %mul3A_390 = arith.muli %scan3A_388, %mul3A_389 : i32
            %add3A_391 = arith.constant 0 : i32
            %add3A_392 = arith.addi %add3A_391, %mul3A_390 : i32
            %add3A_393 = vector.broadcast %add3A_392 : i32 to vector<16xi32>
            %add3A_394 = arith.addi %iota3A, %add3A_393 : vector<16xi32>
            %gather3A_395 = tpu.vector_load_idx %arg9[%add3A_80, %add3A_394] : memref<64x256xf32, #tpu.memory_space<vmem>>[vector<16xi32>, vector<16xi32>], vector<16xf32>,
            %gather3A_396 = tpu.vector_load_idx %arg11[%add3A_80, %add3A_394] : memref<64x256xf32, #tpu.memory_space<vmem>>[vector<16xi32>, vector<16xi32>], vector<16xf32>,
            %mul3A_397 = arith.mulf %gather3A_395, %gather3A_396 : vector<16xf32>
            %add3A_398 = arith.addf %add3A_386, %mul3A_397 : vector<16xf32>
            %scan3A_399 = arith.constant 2 : i32
            %scan3A_400 = arith.addi %scan3A_375, %scan3A_399 : i32
            %mul3A_401 = arith.constant 1 : i32
            %mul3A_402 = arith.muli %scan3A_400, %mul3A_401 : i32
            %add3A_403 = arith.constant 0 : i32
            %add3A_404 = arith.addi %add3A_403, %mul3A_402 : i32
            %add3A_405 = vector.broadcast %add3A_404 : i32 to vector<16xi32>
            %add3A_406 = arith.addi %iota3A, %add3A_405 : vector<16xi32>
            %gather3A_407 = tpu.vector_load_idx %arg9[%add3A_80, %add3A_406] : memref<64x256xf32, #tpu.memory_space<vmem>>[vector<16xi32>, vector<16xi32>], vector<16xf32>,
            %gather3A_408 = tpu.vector_load_idx %arg11[%add3A_80, %add3A_406] : memref<64x256xf32, #tpu.memory_space<vmem>>[vector<16xi32>, vector<16xi32>], vector<16xf32>,
            %mul3A_409 = arith.mulf %gather3A_407, %gather3A_408 : vector<16xf32>
            %add3A_410 = arith.addf %add3A_398, %mul3A_409 : vector<16xf32>
            %scan3A_411 = arith.constant 3 : i32
            %scan3A_412 = arith.addi %scan3A_375, %scan3A_411 : i32
            %mul3A_413 = arith.constant 1 : i32
            %mul3A_414 = arith.muli %scan3A_412, %mul3A_413 : i32
            %add3A_415 = arith.constant 0 : i32
            %add3A_416 = arith.addi %add3A_415, %mul3A_414 : i32
            %add3A_417 = vector.broadcast %add3A_416 : i32 to vector<16xi32>
            %add3A_418 = arith.addi %iota3A, %add3A_417 : vector<16xi32>
            %gather3A_419 = tpu.vector_load_idx %arg9[%add3A_80, %add3A_418] : memref<64x256xf32, #tpu.memory_space<vmem>>[vector<16xi32>, vector<16xi32>], vector<16xf32>,
            %gather3A_420 = tpu.vector_load_idx %arg11[%add3A_80, %add3A_418] : memref<64x256xf32, #tpu.memory_space<vmem>>[vector<16xi32>, vector<16xi32>], vector<16xf32>,
            %mul3A_421 = arith.mulf %gather3A_419, %gather3A_420 : vector<16xf32>
            %add3A_422 = arith.addf %add3A_410, %mul3A_421 : vector<16xf32>
            %scan3A_423 = arith.constant 4 : i32
            %scan3A_424 = arith.addi %scan3A_375, %scan3A_423 : i32
            %mul3A_425 = arith.constant 1 : i32
            %mul3A_426 = arith.muli %scan3A_424, %mul3A_425 : i32
            %add3A_427 = arith.constant 0 : i32
            %add3A_428 = arith.addi %add3A_427, %mul3A_426 : i32
            %add3A_429 = vector.broadcast %add3A_428 : i32 to vector<16xi32>
            %add3A_430 = arith.addi %iota3A, %add3A_429 : vector<16xi32>
            %gather3A_431 = tpu.vector_load_idx %arg9[%add3A_80, %add3A_430] : memref<64x256xf32, #tpu.memory_space<vmem>>[vector<16xi32>, vector<16xi32>], vector<16xf32>,
            %gather3A_432 = tpu.vector_load_idx %arg11[%add3A_80, %add3A_430] : memref<64x256xf32, #tpu.memory_space<vmem>>[vector<16xi32>, vector<16xi32>], vector<16xf32>,
            %mul3A_433 = arith.mulf %gather3A_431, %gather3A_432 : vector<16xf32>
            %add3A_434 = arith.addf %add3A_422, %mul3A_433 : vector<16xf32>
            %scan3A_435 = arith.constant 5 : i32
            %scan3A_436 = arith.addi %scan3A_375, %scan3A_435 : i32
            %mul3A_437 = arith.constant 1 : i32
            %mul3A_438 = arith.muli %scan3A_436, %mul3A_437 : i32
            %add3A_439 = arith.constant 0 : i32
            %add3A_440 = arith.addi %add3A_439, %mul3A_438 : i32
            %add3A_441 = vector.broadcast %add3A_440 : i32 to vector<16xi32>
            %add3A_442 = arith.addi %iota3A, %add3A_441 : vector<16xi32>
            %gather3A_443 = tpu.vector_load_idx %arg9[%add3A_80, %add3A_442] : memref<64x256xf32, #tpu.memory_space<vmem>>[vector<16xi32>, vector<16xi32>], vector<16xf32>,
            %gather3A_444 = tpu.vector_load_idx %arg11[%add3A_80, %add3A_442] : memref<64x256xf32, #tpu.memory_space<vmem>>[vector<16xi32>, vector<16xi32>], vector<16xf32>,
            %mul3A_445 = arith.mulf %gather3A_443, %gather3A_444 : vector<16xf32>
            %add3A_446 = arith.addf %add3A_434, %mul3A_445 : vector<16xf32>
            %scan3A_447 = arith.constant 6 : i32
            %scan3A_448 = arith.addi %scan3A_375, %scan3A_447 : i32
            %mul3A_449 = arith.constant 1 : i32
            %mul3A_450 = arith.muli %scan3A_448, %mul3A_449 : i32
            %add3A_451 = arith.constant 0 : i32
            %add3A_452 = arith.addi %add3A_451, %mul3A_450 : i32
            %add3A_453 = vector.broadcast %add3A_452 : i32 to vector<16xi32>
            %add3A_454 = arith.addi %iota3A, %add3A_453 : vector<16xi32>
            %gather3A_455 = tpu.vector_load_idx %arg9[%add3A_80, %add3A_454] : memref<64x256xf32, #tpu.memory_space<vmem>>[vector<16xi32>, vector<16xi32>], vector<16xf32>,
            %gather3A_456 = tpu.vector_load_idx %arg11[%add3A_80, %add3A_454] : memref<64x256xf32, #tpu.memory_space<vmem>>[vector<16xi32>, vector<16xi32>], vector<16xf32>,
            %mul3A_457 = arith.mulf %gather3A_455, %gather3A_456 : vector<16xf32>
            %add3A_458 = arith.addf %add3A_446, %mul3A_457 : vector<16xf32>
            %scan3A_459 = arith.constant 7 : i32
            %scan3A_460 = arith.addi %scan3A_375, %scan3A_459 : i32
            %mul3A_461 = arith.constant 1 : i32
            %mul3A_462 = arith.muli %scan3A_460, %mul3A_461 : i32
            %add3A_463 = arith.constant 0 : i32
            %add3A_464 = arith.addi %add3A_463, %mul3A_462 : i32
            %add3A_465 = vector.broadcast %add3A_464 : i32 to vector<16xi32>
            %add3A_466 = arith.addi %iota3A, %add3A_465 : vector<16xi32>
            %gather3A_467 = tpu.vector_load_idx %arg9[%add3A_80, %add3A_466] : memref<64x256xf32, #tpu.memory_space<vmem>>[vector<16xi32>, vector<16xi32>], vector<16xf32>,
            %gather3A_468 = tpu.vector_load_idx %arg11[%add3A_80, %add3A_466] : memref<64x256xf32, #tpu.memory_space<vmem>>[vector<16xi32>, vector<16xi32>], vector<16xf32>,
            %mul3A_469 = arith.mulf %gather3A_467, %gather3A_468 : vector<16xf32>
            %add3A_470 = arith.addf %add3A_458, %mul3A_469 : vector<16xf32>
            %scan3A_471 = arith.constant 8 : i32
            %scan3A_472 = arith.addi %scan3A_375, %scan3A_471 : i32
            %mul3A_473 = arith.constant 1 : i32
            %mul3A_474 = arith.muli %scan3A_472, %mul3A_473 : i32
            %add3A_475 = arith.constant 0 : i32
            %add3A_476 = arith.addi %add3A_475, %mul3A_474 : i32
            %add3A_477 = vector.broadcast %add3A_476 : i32 to vector<16xi32>
            %add3A_478 = arith.addi %iota3A, %add3A_477 : vector<16xi32>
            %gather3A_479 = tpu.vector_load_idx %arg9[%add3A_80, %add3A_478] : memref<64x256xf32, #tpu.memory_space<vmem>>[vector<16xi32>, vector<16xi32>], vector<16xf32>,
            %gather3A_480 = tpu.vector_load_idx %arg11[%add3A_80, %add3A_478] : memref<64x256xf32, #tpu.memory_space<vmem>>[vector<16xi32>, vector<16xi32>], vector<16xf32>,
            %mul3A_481 = arith.mulf %gather3A_479, %gather3A_480 : vector<16xf32>
            %add3A_482 = arith.addf %add3A_470, %mul3A_481 : vector<16xf32>
            %scan3A_483 = arith.constant 9 : i32
            %scan3A_484 = arith.addi %scan3A_375, %scan3A_483 : i32
            %mul3A_485 = arith.constant 1 : i32
            %mul3A_486 = arith.muli %scan3A_484, %mul3A_485 : i32
            %add3A_487 = arith.constant 0 : i32
            %add3A_488 = arith.addi %add3A_487, %mul3A_486 : i32
            %add3A_489 = vector.broadcast %add3A_488 : i32 to vector<16xi32>
            %add3A_490 = arith.addi %iota3A, %add3A_489 : vector<16xi32>
            %gather3A_491 = tpu.vector_load_idx %arg9[%add3A_80, %add3A_490] : memref<64x256xf32, #tpu.memory_space<vmem>>[vector<16xi32>, vector<16xi32>], vector<16xf32>,
            %gather3A_492 = tpu.vector_load_idx %arg11[%add3A_80, %add3A_490] : memref<64x256xf32, #tpu.memory_space<vmem>>[vector<16xi32>, vector<16xi32>], vector<16xf32>,
            %mul3A_493 = arith.mulf %gather3A_491, %gather3A_492 : vector<16xf32>
            %add3A_494 = arith.addf %add3A_482, %mul3A_493 : vector<16xf32>
            %scan3A_495 = arith.constant 10 : i32
            %scan3A_496 = arith.addi %scan3A_375, %scan3A_495 : i32
            %mul3A_497 = arith.constant 1 : i32
            %mul3A_498 = arith.muli %scan3A_496, %mul3A_497 : i32
            %add3A_499 = arith.constant 0 : i32
            %add3A_500 = arith.addi %add3A_499, %mul3A_498 : i32
            %add3A_501 = vector.broadcast %add3A_500 : i32 to vector<16xi32>
            %add3A_502 = arith.addi %iota3A, %add3A_501 : vector<16xi32>
            %gather3A_503 = tpu.vector_load_idx %arg9[%add3A_80, %add3A_502] : memref<64x256xf32, #tpu.memory_space<vmem>>[vector<16xi32>, vector<16xi32>], vector<16xf32>,
            %gather3A_504 = tpu.vector_load_idx %arg11[%add3A_80, %add3A_502] : memref<64x256xf32, #tpu.memory_space<vmem>>[vector<16xi32>, vector<16xi32>], vector<16xf32>,
            %mul3A_505 = arith.mulf %gather3A_503, %gather3A_504 : vector<16xf32>
            %add3A_506 = arith.addf %add3A_494, %mul3A_505 : vector<16xf32>
            %scan3A_507 = arith.constant 11 : i32
            %scan3A_508 = arith.addi %scan3A_375, %scan3A_507 : i32
            %mul3A_509 = arith.constant 1 : i32
            %mul3A_510 = arith.muli %scan3A_508, %mul3A_509 : i32
            %add3A_511 = arith.constant 0 : i32
            %add3A_512 = arith.addi %add3A_511, %mul3A_510 : i32
            %add3A_513 = vector.broadcast %add3A_512 : i32 to vector<16xi32>
            %add3A_514 = arith.addi %iota3A, %add3A_513 : vector<16xi32>
            %gather3A_515 = tpu.vector_load_idx %arg9[%add3A_80, %add3A_514] : memref<64x256xf32, #tpu.memory_space<vmem>>[vector<16xi32>, vector<16xi32>], vector<16xf32>,
            %gather3A_516 = tpu.vector_load_idx %arg11[%add3A_80, %add3A_514] : memref<64x256xf32, #tpu.memory_space<vmem>>[vector<16xi32>, vector<16xi32>], vector<16xf32>,
            %mul3A_517 = arith.mulf %gather3A_515, %gather3A_516 : vector<16xf32>
            %add3A_518 = arith.addf %add3A_506, %mul3A_517 : vector<16xf32>
            %scan3A_519 = arith.constant 12 : i32
            %scan3A_520 = arith.addi %scan3A_375, %scan3A_519 : i32
            %mul3A_521 = arith.constant 1 : i32
            %mul3A_522 = arith.muli %scan3A_520, %mul3A_521 : i32
            %add3A_523 = arith.constant 0 : i32
            %add3A_524 = arith.addi %add3A_523, %mul3A_522 : i32
            %add3A_525 = vector.broadcast %add3A_524 : i32 to vector<16xi32>
            %add3A_526 = arith.addi %iota3A, %add3A_525 : vector<16xi32>
            %gather3A_527 = tpu.vector_load_idx %arg9[%add3A_80, %add3A_526] : memref<64x256xf32, #tpu.memory_space<vmem>>[vector<16xi32>, vector<16xi32>], vector<16xf32>,
            %gather3A_528 = tpu.vector_load_idx %arg11[%add3A_80, %add3A_526] : memref<64x256xf32, #tpu.memory_space<vmem>>[vector<16xi32>, vector<16xi32>], vector<16xf32>,
            %mul3A_529 = arith.mulf %gather3A_527, %gather3A_528 : vector<16xf32>
            %add3A_530 = arith.addf %add3A_518, %mul3A_529 : vector<16xf32>
            %scan3A_531 = arith.constant 13 : i32
            %scan3A_532 = arith.addi %scan3A_375, %scan3A_531 : i32
            %mul3A_533 = arith.constant 1 : i32
            %mul3A_534 = arith.muli %scan3A_532, %mul3A_533 : i32
            %add3A_535 = arith.constant 0 : i32
            %add3A_536 = arith.addi %add3A_535, %mul3A_534 : i32
            %add3A_537 = vector.broadcast %add3A_536 : i32 to vector<16xi32>
            %add3A_538 = arith.addi %iota3A, %add3A_537 : vector<16xi32>
            %gather3A_539 = tpu.vector_load_idx %arg9[%add3A_80, %add3A_538] : memref<64x256xf32, #tpu.memory_space<vmem>>[vector<16xi32>, vector<16xi32>], vector<16xf32>,
            %gather3A_540 = tpu.vector_load_idx %arg11[%add3A_80, %add3A_538] : memref<64x256xf32, #tpu.memory_space<vmem>>[vector<16xi32>, vector<16xi32>], vector<16xf32>,
            %mul3A_541 = arith.mulf %gather3A_539, %gather3A_540 : vector<16xf32>
            %add3A_542 = arith.addf %add3A_530, %mul3A_541 : vector<16xf32>
            %scan3A_543 = arith.constant 14 : i32
            %scan3A_544 = arith.addi %scan3A_375, %scan3A_543 : i32
            %mul3A_545 = arith.constant 1 : i32
            %mul3A_546 = arith.muli %scan3A_544, %mul3A_545 : i32
            %add3A_547 = arith.constant 0 : i32
            %add3A_548 = arith.addi %add3A_547, %mul3A_546 : i32
            %add3A_549 = vector.broadcast %add3A_548 : i32 to vector<16xi32>
            %add3A_550 = arith.addi %iota3A, %add3A_549 : vector<16xi32>
            %gather3A_551 = tpu.vector_load_idx %arg9[%add3A_80, %add3A_550] : memref<64x256xf32, #tpu.memory_space<vmem>>[vector<16xi32>, vector<16xi32>], vector<16xf32>,
            %gather3A_552 = tpu.vector_load_idx %arg11[%add3A_80, %add3A_550] : memref<64x256xf32, #tpu.memory_space<vmem>>[vector<16xi32>, vector<16xi32>], vector<16xf32>,
            %mul3A_553 = arith.mulf %gather3A_551, %gather3A_552 : vector<16xf32>
            %add3A_554 = arith.addf %add3A_542, %mul3A_553 : vector<16xf32>
            %scan3A_555 = arith.constant 15 : i32
            %scan3A_556 = arith.addi %scan3A_375, %scan3A_555 : i32
            %mul3A_557 = arith.constant 1 : i32
            %mul3A_558 = arith.muli %scan3A_556, %mul3A_557 : i32
            %add3A_559 = arith.constant 0 : i32
            %add3A_560 = arith.addi %add3A_559, %mul3A_558 : i32
            %add3A_561 = vector.broadcast %add3A_560 : i32 to vector<16xi32>
            %add3A_562 = arith.addi %iota3A, %add3A_561 : vector<16xi32>
            %gather3A_563 = tpu.vector_load_idx %arg9[%add3A_80, %add3A_562] : memref<64x256xf32, #tpu.memory_space<vmem>>[vector<16xi32>, vector<16xi32>], vector<16xf32>,
            %gather3A_564 = tpu.vector_load_idx %arg11[%add3A_80, %add3A_562] : memref<64x256xf32, #tpu.memory_space<vmem>>[vector<16xi32>, vector<16xi32>], vector<16xf32>,
            %mul3A_565 = arith.mulf %gather3A_563, %gather3A_564 : vector<16xf32>
            %add3A_566 = arith.addf %add3A_554, %mul3A_565 : vector<16xf32>
            scf.yield %add3A_566 : vector<16xf32>
          }
          %scan3A_87 = arith.constant 240 : i32
          %scan3A_88 = arith.constant 0 : i32
          %mul3A_89 = arith.constant 1 : i32
          %mul3A_90 = arith.muli %scan3A_88, %mul3A_89 : i32
          %add3A_91 = arith.constant 240 : i32
          %add3A_92 = arith.addi %add3A_91, %mul3A_90 : i32
          %add3A_93 = vector.broadcast %add3A_92 : i32 to vector<16xi32>
          %add3A_94 = arith.addi %iota3A, %add3A_93 : vector<16xi32>
          %ge3A = arith.constant 256 : i32
          %ge3A_95 = vector.broadcast %ge3A : i32 to vector<16xi32>
          %ge3A_96 = arith.cmpi sge, %add3A_94, %ge3A_95 : vector<16xi32>
          %sub3A = arith.constant 256 : i32
          %sub3A_97 = vector.broadcast %sub3A : i32 to vector<16xi32>
          %sub3A_98 = arith.subi %add3A_94, %sub3A_97 : vector<16xi32>
          %select_n3A = arith.select %ge3A_96, %sub3A_98, %add3A_94 : vector<16xi1>, vector<16xi32>
          %gather3A = tpu.vector_load_idx %arg9[%add3A_80, %select_n3A] : memref<64x256xf32, #tpu.memory_space<vmem>>[vector<16xi32>, vector<16xi32>], vector<16xf32>,
          %gather3A_99 = tpu.vector_load_idx %arg11[%add3A_80, %select_n3A] : memref<64x256xf32, #tpu.memory_space<vmem>>[vector<16xi32>, vector<16xi32>], vector<16xf32>,
          %mul3A_100 = arith.mulf %gather3A, %gather3A_99 : vector<16xf32>
          %add3A_101 = arith.addf %scan3A_86, %mul3A_100 : vector<16xf32>
          %scan3A_102 = arith.constant 1 : i32
          %mul3A_103 = arith.constant 1 : i32
          %mul3A_104 = arith.muli %scan3A_102, %mul3A_103 : i32
          %add3A_105 = arith.constant 240 : i32
          %add3A_106 = arith.addi %add3A_105, %mul3A_104 : i32
          %add3A_107 = vector.broadcast %add3A_106 : i32 to vector<16xi32>
          %add3A_108 = arith.addi %iota3A, %add3A_107 : vector<16xi32>
          %ge3A_109 = arith.constant 256 : i32
          %ge3A_110 = vector.broadcast %ge3A_109 : i32 to vector<16xi32>
          %ge3A_111 = arith.cmpi sge, %add3A_108, %ge3A_110 : vector<16xi32>
          %sub3A_112 = arith.constant 256 : i32
          %sub3A_113 = vector.broadcast %sub3A_112 : i32 to vector<16xi32>
          %sub3A_114 = arith.subi %add3A_108, %sub3A_113 : vector<16xi32>
          %select_n3A_115 = arith.select %ge3A_111, %sub3A_114, %add3A_108 : vector<16xi1>, vector<16xi32>
          %gather3A_116 = tpu.vector_load_idx %arg9[%add3A_80, %select_n3A_115] : memref<64x256xf32, #tpu.memory_space<vmem>>[vector<16xi32>, vector<16xi32>], vector<16xf32>,
          %gather3A_117 = tpu.vector_load_idx %arg11[%add3A_80, %select_n3A_115] : memref<64x256xf32, #tpu.memory_space<vmem>>[vector<16xi32>, vector<16xi32>], vector<16xf32>,
          %mul3A_118 = arith.mulf %gather3A_116, %gather3A_117 : vector<16xf32>
          %add3A_119 = arith.addf %add3A_101, %mul3A_118 : vector<16xf32>
          %scan3A_120 = arith.constant 2 : i32
          %mul3A_121 = arith.constant 1 : i32
          %mul3A_122 = arith.muli %scan3A_120, %mul3A_121 : i32
          %add3A_123 = arith.constant 240 : i32
          %add3A_124 = arith.addi %add3A_123, %mul3A_122 : i32
          %add3A_125 = vector.broadcast %add3A_124 : i32 to vector<16xi32>
          %add3A_126 = arith.addi %iota3A, %add3A_125 : vector<16xi32>
          %ge3A_127 = arith.constant 256 : i32
          %ge3A_128 = vector.broadcast %ge3A_127 : i32 to vector<16xi32>
          %ge3A_129 = arith.cmpi sge, %add3A_126, %ge3A_128 : vector<16xi32>
          %sub3A_130 = arith.constant 256 : i32
          %sub3A_131 = vector.broadcast %sub3A_130 : i32 to vector<16xi32>
          %sub3A_132 = arith.subi %add3A_126, %sub3A_131 : vector<16xi32>
          %select_n3A_133 = arith.select %ge3A_129, %sub3A_132, %add3A_126 : vector<16xi1>, vector<16xi32>
          %gather3A_134 = tpu.vector_load_idx %arg9[%add3A_80, %select_n3A_133] : memref<64x256xf32, #tpu.memory_space<vmem>>[vector<16xi32>, vector<16xi32>], vector<16xf32>,
          %gather3A_135 = tpu.vector_load_idx %arg11[%add3A_80, %select_n3A_133] : memref<64x256xf32, #tpu.memory_space<vmem>>[vector<16xi32>, vector<16xi32>], vector<16xf32>,
          %mul3A_136 = arith.mulf %gather3A_134, %gather3A_135 : vector<16xf32>
          %add3A_137 = arith.addf %add3A_119, %mul3A_136 : vector<16xf32>
          %scan3A_138 = arith.constant 3 : i32
          %mul3A_139 = arith.constant 1 : i32
          %mul3A_140 = arith.muli %scan3A_138, %mul3A_139 : i32
          %add3A_141 = arith.constant 240 : i32
          %add3A_142 = arith.addi %add3A_141, %mul3A_140 : i32
          %add3A_143 = vector.broadcast %add3A_142 : i32 to vector<16xi32>
          %add3A_144 = arith.addi %iota3A, %add3A_143 : vector<16xi32>
          %ge3A_145 = arith.constant 256 : i32
          %ge3A_146 = vector.broadcast %ge3A_145 : i32 to vector<16xi32>
          %ge3A_147 = arith.cmpi sge, %add3A_144, %ge3A_146 : vector<16xi32>
          %sub3A_148 = arith.constant 256 : i32
          %sub3A_149 = vector.broadcast %sub3A_148 : i32 to vector<16xi32>
          %sub3A_150 = arith.subi %add3A_144, %sub3A_149 : vector<16xi32>
          %select_n3A_151 = arith.select %ge3A_147, %sub3A_150, %add3A_144 : vector<16xi1>, vector<16xi32>
          %gather3A_152 = tpu.vector_load_idx %arg9[%add3A_80, %select_n3A_151] : memref<64x256xf32, #tpu.memory_space<vmem>>[vector<16xi32>, vector<16xi32>], vector<16xf32>,
          %gather3A_153 = tpu.vector_load_idx %arg11[%add3A_80, %select_n3A_151] : memref<64x256xf32, #tpu.memory_space<vmem>>[vector<16xi32>, vector<16xi32>], vector<16xf32>,
          %mul3A_154 = arith.mulf %gather3A_152, %gather3A_153 : vector<16xf32>
          %add3A_155 = arith.addf %add3A_137, %mul3A_154 : vector<16xf32>
          %scan3A_156 = arith.constant 4 : i32
          %mul3A_157 = arith.constant 1 : i32
          %mul3A_158 = arith.muli %scan3A_156, %mul3A_157 : i32
          %add3A_159 = arith.constant 240 : i32
          %add3A_160 = arith.addi %add3A_159, %mul3A_158 : i32
          %add3A_161 = vector.broadcast %add3A_160 : i32 to vector<16xi32>
          %add3A_162 = arith.addi %iota3A, %add3A_161 : vector<16xi32>
          %ge3A_163 = arith.constant 256 : i32
          %ge3A_164 = vector.broadcast %ge3A_163 : i32 to vector<16xi32>
          %ge3A_165 = arith.cmpi sge, %add3A_162, %ge3A_164 : vector<16xi32>
          %sub3A_166 = arith.constant 256 : i32
          %sub3A_167 = vector.broadcast %sub3A_166 : i32 to vector<16xi32>
          %sub3A_168 = arith.subi %add3A_162, %sub3A_167 : vector<16xi32>
          %select_n3A_169 = arith.select %ge3A_165, %sub3A_168, %add3A_162 : vector<16xi1>, vector<16xi32>
          %gather3A_170 = tpu.vector_load_idx %arg9[%add3A_80, %select_n3A_169] : memref<64x256xf32, #tpu.memory_space<vmem>>[vector<16xi32>, vector<16xi32>], vector<16xf32>,
          %gather3A_171 = tpu.vector_load_idx %arg11[%add3A_80, %select_n3A_169] : memref<64x256xf32, #tpu.memory_space<vmem>>[vector<16xi32>, vector<16xi32>], vector<16xf32>,
          %mul3A_172 = arith.mulf %gather3A_170, %gather3A_171 : vector<16xf32>
          %add3A_173 = arith.addf %add3A_155, %mul3A_172 : vector<16xf32>
          %scan3A_174 = arith.constant 5 : i32
          %mul3A_175 = arith.constant 1 : i32
          %mul3A_176 = arith.muli %scan3A_174, %mul3A_175 : i32
          %add3A_177 = arith.constant 240 : i32
          %add3A_178 = arith.addi %add3A_177, %mul3A_176 : i32
          %add3A_179 = vector.broadcast %add3A_178 : i32 to vector<16xi32>
          %add3A_180 = arith.addi %iota3A, %add3A_179 : vector<16xi32>
          %ge3A_181 = arith.constant 256 : i32
          %ge3A_182 = vector.broadcast %ge3A_181 : i32 to vector<16xi32>
          %ge3A_183 = arith.cmpi sge, %add3A_180, %ge3A_182 : vector<16xi32>
          %sub3A_184 = arith.constant 256 : i32
          %sub3A_185 = vector.broadcast %sub3A_184 : i32 to vector<16xi32>
          %sub3A_186 = arith.subi %add3A_180, %sub3A_185 : vector<16xi32>
          %select_n3A_187 = arith.select %ge3A_183, %sub3A_186, %add3A_180 : vector<16xi1>, vector<16xi32>
          %gather3A_188 = tpu.vector_load_idx %arg9[%add3A_80, %select_n3A_187] : memref<64x256xf32, #tpu.memory_space<vmem>>[vector<16xi32>, vector<16xi32>], vector<16xf32>,
          %gather3A_189 = tpu.vector_load_idx %arg11[%add3A_80, %select_n3A_187] : memref<64x256xf32, #tpu.memory_space<vmem>>[vector<16xi32>, vector<16xi32>], vector<16xf32>,
          %mul3A_190 = arith.mulf %gather3A_188, %gather3A_189 : vector<16xf32>
          %add3A_191 = arith.addf %add3A_173, %mul3A_190 : vector<16xf32>
          %scan3A_192 = arith.constant 6 : i32
          %mul3A_193 = arith.constant 1 : i32
          %mul3A_194 = arith.muli %scan3A_192, %mul3A_193 : i32
          %add3A_195 = arith.constant 240 : i32
          %add3A_196 = arith.addi %add3A_195, %mul3A_194 : i32
          %add3A_197 = vector.broadcast %add3A_196 : i32 to vector<16xi32>
          %add3A_198 = arith.addi %iota3A, %add3A_197 : vector<16xi32>
          %ge3A_199 = arith.constant 256 : i32
          %ge3A_200 = vector.broadcast %ge3A_199 : i32 to vector<16xi32>
          %ge3A_201 = arith.cmpi sge, %add3A_198, %ge3A_200 : vector<16xi32>
          %sub3A_202 = arith.constant 256 : i32
          %sub3A_203 = vector.broadcast %sub3A_202 : i32 to vector<16xi32>
          %sub3A_204 = arith.subi %add3A_198, %sub3A_203 : vector<16xi32>
          %select_n3A_205 = arith.select %ge3A_201, %sub3A_204, %add3A_198 : vector<16xi1>, vector<16xi32>
          %gather3A_206 = tpu.vector_load_idx %arg9[%add3A_80, %select_n3A_205] : memref<64x256xf32, #tpu.memory_space<vmem>>[vector<16xi32>, vector<16xi32>], vector<16xf32>,
          %gather3A_207 = tpu.vector_load_idx %arg11[%add3A_80, %select_n3A_205] : memref<64x256xf32, #tpu.memory_space<vmem>>[vector<16xi32>, vector<16xi32>], vector<16xf32>,
          %mul3A_208 = arith.mulf %gather3A_206, %gather3A_207 : vector<16xf32>
          %add3A_209 = arith.addf %add3A_191, %mul3A_208 : vector<16xf32>
          %scan3A_210 = arith.constant 7 : i32
          %mul3A_211 = arith.constant 1 : i32
          %mul3A_212 = arith.muli %scan3A_210, %mul3A_211 : i32
          %add3A_213 = arith.constant 240 : i32
          %add3A_214 = arith.addi %add3A_213, %mul3A_212 : i32
          %add3A_215 = vector.broadcast %add3A_214 : i32 to vector<16xi32>
          %add3A_216 = arith.addi %iota3A, %add3A_215 : vector<16xi32>
          %ge3A_217 = arith.constant 256 : i32
          %ge3A_218 = vector.broadcast %ge3A_217 : i32 to vector<16xi32>
          %ge3A_219 = arith.cmpi sge, %add3A_216, %ge3A_218 : vector<16xi32>
          %sub3A_220 = arith.constant 256 : i32
          %sub3A_221 = vector.broadcast %sub3A_220 : i32 to vector<16xi32>
          %sub3A_222 = arith.subi %add3A_216, %sub3A_221 : vector<16xi32>
          %select_n3A_223 = arith.select %ge3A_219, %sub3A_222, %add3A_216 : vector<16xi1>, vector<16xi32>
          %gather3A_224 = tpu.vector_load_idx %arg9[%add3A_80, %select_n3A_223] : memref<64x256xf32, #tpu.memory_space<vmem>>[vector<16xi32>, vector<16xi32>], vector<16xf32>,
          %gather3A_225 = tpu.vector_load_idx %arg11[%add3A_80, %select_n3A_223] : memref<64x256xf32, #tpu.memory_space<vmem>>[vector<16xi32>, vector<16xi32>], vector<16xf32>,
          %mul3A_226 = arith.mulf %gather3A_224, %gather3A_225 : vector<16xf32>
          %add3A_227 = arith.addf %add3A_209, %mul3A_226 : vector<16xf32>
          %scan3A_228 = arith.constant 8 : i32
          %mul3A_229 = arith.constant 1 : i32
          %mul3A_230 = arith.muli %scan3A_228, %mul3A_229 : i32
          %add3A_231 = arith.constant 240 : i32
          %add3A_232 = arith.addi %add3A_231, %mul3A_230 : i32
          %add3A_233 = vector.broadcast %add3A_232 : i32 to vector<16xi32>
          %add3A_234 = arith.addi %iota3A, %add3A_233 : vector<16xi32>
          %ge3A_235 = arith.constant 256 : i32
          %ge3A_236 = vector.broadcast %ge3A_235 : i32 to vector<16xi32>
          %ge3A_237 = arith.cmpi sge, %add3A_234, %ge3A_236 : vector<16xi32>
          %sub3A_238 = arith.constant 256 : i32
          %sub3A_239 = vector.broadcast %sub3A_238 : i32 to vector<16xi32>
          %sub3A_240 = arith.subi %add3A_234, %sub3A_239 : vector<16xi32>
          %select_n3A_241 = arith.select %ge3A_237, %sub3A_240, %add3A_234 : vector<16xi1>, vector<16xi32>
          %gather3A_242 = tpu.vector_load_idx %arg9[%add3A_80, %select_n3A_241] : memref<64x256xf32, #tpu.memory_space<vmem>>[vector<16xi32>, vector<16xi32>], vector<16xf32>,
          %gather3A_243 = tpu.vector_load_idx %arg11[%add3A_80, %select_n3A_241] : memref<64x256xf32, #tpu.memory_space<vmem>>[vector<16xi32>, vector<16xi32>], vector<16xf32>,
          %mul3A_244 = arith.mulf %gather3A_242, %gather3A_243 : vector<16xf32>
          %add3A_245 = arith.addf %add3A_227, %mul3A_244 : vector<16xf32>
          %scan3A_246 = arith.constant 9 : i32
          %mul3A_247 = arith.constant 1 : i32
          %mul3A_248 = arith.muli %scan3A_246, %mul3A_247 : i32
          %add3A_249 = arith.constant 240 : i32
          %add3A_250 = arith.addi %add3A_249, %mul3A_248 : i32
          %add3A_251 = vector.broadcast %add3A_250 : i32 to vector<16xi32>
          %add3A_252 = arith.addi %iota3A, %add3A_251 : vector<16xi32>
          %ge3A_253 = arith.constant 256 : i32
          %ge3A_254 = vector.broadcast %ge3A_253 : i32 to vector<16xi32>
          %ge3A_255 = arith.cmpi sge, %add3A_252, %ge3A_254 : vector<16xi32>
          %sub3A_256 = arith.constant 256 : i32
          %sub3A_257 = vector.broadcast %sub3A_256 : i32 to vector<16xi32>
          %sub3A_258 = arith.subi %add3A_252, %sub3A_257 : vector<16xi32>
          %select_n3A_259 = arith.select %ge3A_255, %sub3A_258, %add3A_252 : vector<16xi1>, vector<16xi32>
          %gather3A_260 = tpu.vector_load_idx %arg9[%add3A_80, %select_n3A_259] : memref<64x256xf32, #tpu.memory_space<vmem>>[vector<16xi32>, vector<16xi32>], vector<16xf32>,
          %gather3A_261 = tpu.vector_load_idx %arg11[%add3A_80, %select_n3A_259] : memref<64x256xf32, #tpu.memory_space<vmem>>[vector<16xi32>, vector<16xi32>], vector<16xf32>,
          %mul3A_262 = arith.mulf %gather3A_260, %gather3A_261 : vector<16xf32>
          %add3A_263 = arith.addf %add3A_245, %mul3A_262 : vector<16xf32>
          %scan3A_264 = arith.constant 10 : i32
          %mul3A_265 = arith.constant 1 : i32
          %mul3A_266 = arith.muli %scan3A_264, %mul3A_265 : i32
          %add3A_267 = arith.constant 240 : i32
          %add3A_268 = arith.addi %add3A_267, %mul3A_266 : i32
          %add3A_269 = vector.broadcast %add3A_268 : i32 to vector<16xi32>
          %add3A_270 = arith.addi %iota3A, %add3A_269 : vector<16xi32>
          %ge3A_271 = arith.constant 256 : i32
          %ge3A_272 = vector.broadcast %ge3A_271 : i32 to vector<16xi32>
          %ge3A_273 = arith.cmpi sge, %add3A_270, %ge3A_272 : vector<16xi32>
          %sub3A_274 = arith.constant 256 : i32
          %sub3A_275 = vector.broadcast %sub3A_274 : i32 to vector<16xi32>
          %sub3A_276 = arith.subi %add3A_270, %sub3A_275 : vector<16xi32>
          %select_n3A_277 = arith.select %ge3A_273, %sub3A_276, %add3A_270 : vector<16xi1>, vector<16xi32>
          %gather3A_278 = tpu.vector_load_idx %arg9[%add3A_80, %select_n3A_277] : memref<64x256xf32, #tpu.memory_space<vmem>>[vector<16xi32>, vector<16xi32>], vector<16xf32>,
          %gather3A_279 = tpu.vector_load_idx %arg11[%add3A_80, %select_n3A_277] : memref<64x256xf32, #tpu.memory_space<vmem>>[vector<16xi32>, vector<16xi32>], vector<16xf32>,
          %mul3A_280 = arith.mulf %gather3A_278, %gather3A_279 : vector<16xf32>
          %add3A_281 = arith.addf %add3A_263, %mul3A_280 : vector<16xf32>
          %scan3A_282 = arith.constant 11 : i32
          %mul3A_283 = arith.constant 1 : i32
          %mul3A_284 = arith.muli %scan3A_282, %mul3A_283 : i32
          %add3A_285 = arith.constant 240 : i32
          %add3A_286 = arith.addi %add3A_285, %mul3A_284 : i32
          %add3A_287 = vector.broadcast %add3A_286 : i32 to vector<16xi32>
          %add3A_288 = arith.addi %iota3A, %add3A_287 : vector<16xi32>
          %ge3A_289 = arith.constant 256 : i32
          %ge3A_290 = vector.broadcast %ge3A_289 : i32 to vector<16xi32>
          %ge3A_291 = arith.cmpi sge, %add3A_288, %ge3A_290 : vector<16xi32>
          %sub3A_292 = arith.constant 256 : i32
          %sub3A_293 = vector.broadcast %sub3A_292 : i32 to vector<16xi32>
          %sub3A_294 = arith.subi %add3A_288, %sub3A_293 : vector<16xi32>
          %select_n3A_295 = arith.select %ge3A_291, %sub3A_294, %add3A_288 : vector<16xi1>, vector<16xi32>
          %gather3A_296 = tpu.vector_load_idx %arg9[%add3A_80, %select_n3A_295] : memref<64x256xf32, #tpu.memory_space<vmem>>[vector<16xi32>, vector<16xi32>], vector<16xf32>,
          %gather3A_297 = tpu.vector_load_idx %arg11[%add3A_80, %select_n3A_295] : memref<64x256xf32, #tpu.memory_space<vmem>>[vector<16xi32>, vector<16xi32>], vector<16xf32>,
          %mul3A_298 = arith.mulf %gather3A_296, %gather3A_297 : vector<16xf32>
          %add3A_299 = arith.addf %add3A_281, %mul3A_298 : vector<16xf32>
          %scan3A_300 = arith.constant 12 : i32
          %mul3A_301 = arith.constant 1 : i32
          %mul3A_302 = arith.muli %scan3A_300, %mul3A_301 : i32
          %add3A_303 = arith.constant 240 : i32
          %add3A_304 = arith.addi %add3A_303, %mul3A_302 : i32
          %add3A_305 = vector.broadcast %add3A_304 : i32 to vector<16xi32>
          %add3A_306 = arith.addi %iota3A, %add3A_305 : vector<16xi32>
          %ge3A_307 = arith.constant 256 : i32
          %ge3A_308 = vector.broadcast %ge3A_307 : i32 to vector<16xi32>
          %ge3A_309 = arith.cmpi sge, %add3A_306, %ge3A_308 : vector<16xi32>
          %sub3A_310 = arith.constant 256 : i32
          %sub3A_311 = vector.broadcast %sub3A_310 : i32 to vector<16xi32>
          %sub3A_312 = arith.subi %add3A_306, %sub3A_311 : vector<16xi32>
          %select_n3A_313 = arith.select %ge3A_309, %sub3A_312, %add3A_306 : vector<16xi1>, vector<16xi32>
          %gather3A_314 = tpu.vector_load_idx %arg9[%add3A_80, %select_n3A_313] : memref<64x256xf32, #tpu.memory_space<vmem>>[vector<16xi32>, vector<16xi32>], vector<16xf32>,
          %gather3A_315 = tpu.vector_load_idx %arg11[%add3A_80, %select_n3A_313] : memref<64x256xf32, #tpu.memory_space<vmem>>[vector<16xi32>, vector<16xi32>], vector<16xf32>,
          %mul3A_316 = arith.mulf %gather3A_314, %gather3A_315 : vector<16xf32>
          %add3A_317 = arith.addf %add3A_299, %mul3A_316 : vector<16xf32>
          %scan3A_318 = arith.constant 13 : i32
          %mul3A_319 = arith.constant 1 : i32
          %mul3A_320 = arith.muli %scan3A_318, %mul3A_319 : i32
          %add3A_321 = arith.constant 240 : i32
          %add3A_322 = arith.addi %add3A_321, %mul3A_320 : i32
          %add3A_323 = vector.broadcast %add3A_322 : i32 to vector<16xi32>
          %add3A_324 = arith.addi %iota3A, %add3A_323 : vector<16xi32>
          %ge3A_325 = arith.constant 256 : i32
          %ge3A_326 = vector.broadcast %ge3A_325 : i32 to vector<16xi32>
          %ge3A_327 = arith.cmpi sge, %add3A_324, %ge3A_326 : vector<16xi32>
          %sub3A_328 = arith.constant 256 : i32
          %sub3A_329 = vector.broadcast %sub3A_328 : i32 to vector<16xi32>
          %sub3A_330 = arith.subi %add3A_324, %sub3A_329 : vector<16xi32>
          %select_n3A_331 = arith.select %ge3A_327, %sub3A_330, %add3A_324 : vector<16xi1>, vector<16xi32>
          %gather3A_332 = tpu.vector_load_idx %arg9[%add3A_80, %select_n3A_331] : memref<64x256xf32, #tpu.memory_space<vmem>>[vector<16xi32>, vector<16xi32>], vector<16xf32>,
          %gather3A_333 = tpu.vector_load_idx %arg11[%add3A_80, %select_n3A_331] : memref<64x256xf32, #tpu.memory_space<vmem>>[vector<16xi32>, vector<16xi32>], vector<16xf32>,
          %mul3A_334 = arith.mulf %gather3A_332, %gather3A_333 : vector<16xf32>
          %add3A_335 = arith.addf %add3A_317, %mul3A_334 : vector<16xf32>
          %scan3A_336 = arith.constant 14 : i32
          %mul3A_337 = arith.constant 1 : i32
          %mul3A_338 = arith.muli %scan3A_336, %mul3A_337 : i32
          %add3A_339 = arith.constant 240 : i32
          %add3A_340 = arith.addi %add3A_339, %mul3A_338 : i32
          %add3A_341 = vector.broadcast %add3A_340 : i32 to vector<16xi32>
          %add3A_342 = arith.addi %iota3A, %add3A_341 : vector<16xi32>
          %ge3A_343 = arith.constant 256 : i32
          %ge3A_344 = vector.broadcast %ge3A_343 : i32 to vector<16xi32>
          %ge3A_345 = arith.cmpi sge, %add3A_342, %ge3A_344 : vector<16xi32>
          %sub3A_346 = arith.constant 256 : i32
          %sub3A_347 = vector.broadcast %sub3A_346 : i32 to vector<16xi32>
          %sub3A_348 = arith.subi %add3A_342, %sub3A_347 : vector<16xi32>
          %select_n3A_349 = arith.select %ge3A_345, %sub3A_348, %add3A_342 : vector<16xi1>, vector<16xi32>
          %gather3A_350 = tpu.vector_load_idx %arg9[%add3A_80, %select_n3A_349] : memref<64x256xf32, #tpu.memory_space<vmem>>[vector<16xi32>, vector<16xi32>], vector<16xf32>,
          %gather3A_351 = tpu.vector_load_idx %arg11[%add3A_80, %select_n3A_349] : memref<64x256xf32, #tpu.memory_space<vmem>>[vector<16xi32>, vector<16xi32>], vector<16xf32>,
          %mul3A_352 = arith.mulf %gather3A_350, %gather3A_351 : vector<16xf32>
          %add3A_353 = arith.addf %add3A_335, %mul3A_352 : vector<16xf32>
          %scan3A_354 = arith.constant 15 : i32
          %mul3A_355 = arith.constant 1 : i32
          %mul3A_356 = arith.muli %scan3A_354, %mul3A_355 : i32
          %add3A_357 = arith.constant 240 : i32
          %add3A_358 = arith.addi %add3A_357, %mul3A_356 : i32
          %add3A_359 = vector.broadcast %add3A_358 : i32 to vector<16xi32>
          %add3A_360 = arith.addi %iota3A, %add3A_359 : vector<16xi32>
          %ge3A_361 = arith.constant 256 : i32
          %ge3A_362 = vector.broadcast %ge3A_361 : i32 to vector<16xi32>
          %ge3A_363 = arith.cmpi sge, %add3A_360, %ge3A_362 : vector<16xi32>
          %sub3A_364 = arith.constant 256 : i32
          %sub3A_365 = vector.broadcast %sub3A_364 : i32 to vector<16xi32>
          %sub3A_366 = arith.subi %add3A_360, %sub3A_365 : vector<16xi32>
          %select_n3A_367 = arith.select %ge3A_363, %sub3A_366, %add3A_360 : vector<16xi1>, vector<16xi32>
          %gather3A_368 = tpu.vector_load_idx %arg9[%add3A_80, %select_n3A_367] : memref<64x256xf32, #tpu.memory_space<vmem>>[vector<16xi32>, vector<16xi32>], vector<16xf32>,
          %gather3A_369 = tpu.vector_load_idx %arg11[%add3A_80, %select_n3A_367] : memref<64x256xf32, #tpu.memory_space<vmem>>[vector<16xi32>, vector<16xi32>], vector<16xf32>,
          %mul3A_370 = arith.mulf %gather3A_368, %gather3A_369 : vector<16xf32>
          %add3A_371 = arith.addf %add3A_353, %mul3A_370 : vector<16xf32>
          %scan3A_372 = arith.constant 16 : i32
          %add3A_373 = arith.addi %min3A_60, %add3A_78 : i32
          %swap3A = arith.index_cast %add3A_373 : i32 to index
          %swap3A_374 = tpu.vector_load %arg12[%swap3A] {strides = array<i32>} : memref<5000xf32, #tpu.memory_space<vmem>>, vector<16xf32>,
          tpu.vector_store %arg12[%swap3A], %add3A_371 {strides = array<i32>} : memref<5000xf32, #tpu.memory_space<vmem>>, vector<16xf32>,
        }
        %scan3A_73 = arith.constant 4 : i32
      } else {
      }
    }
    %scan3A_15 = arith.constant 40 : i32
    "tpu.region"() ({
      %run_scoped3A = tpu.sem_alloc : memref<!tpu.dma_semaphore, #tpu.memory_space<semaphore_mem>>
      %dma_start3A_16 = tpu.memref_slice %arg5[%mul3A_2] : memref<160000xf32, #tpu.memory_space<hbm>> -> memref<5000xf32, #tpu.memory_space<hbm>>
      %dma_start3A_17 = tpu.memref_slice %arg5[%mul3A_2] : memref<160000xf32, #tpu.memory_space<hbm>> -> memref<5000xf32, #tpu.memory_space<hbm>>
      tpu.enqueue_dma source(%arg12 : memref<5000xf32, #tpu.memory_space<vmem>>) target(%dma_start3A_17 : memref<5000xf32, #tpu.memory_space<hbm>>) target_semaphore(%run_scoped3A : memref<!tpu.dma_semaphore, #tpu.memory_space<semaphore_mem>>)
      %dma_wait3A = tpu.memref_slice %arg5[%mul3A_2] : memref<160000xf32, #tpu.memory_space<hbm>> -> memref<5000xf32, #tpu.memory_space<hbm>>
      %dma_wait3A_18 = tpu.memref_slice %arg5[%mul3A_2] : memref<160000xf32, #tpu.memory_space<hbm>> -> memref<5000xf32, #tpu.memory_space<hbm>>
      tpu.wait_dma2 semaphore(%run_scoped3A : memref<!tpu.dma_semaphore, #tpu.memory_space<semaphore_mem>>) src(%arg12 : memref<5000xf32, #tpu.memory_space<vmem>>) dst(%dma_wait3A_18 : memref<5000xf32, #tpu.memory_space<hbm>>)
      tpu.yield
    }) : () -> ()
    return
  }
}

</mosaic_0001>

<sc_bundles>
// kernel: kernel.3.cloned.1.call-start
scs
__scs_entry_jumppad:
0x0: {  	(pc) =	sbr.rel $0x88, $3  }
0x1: {  	(tag) =	ssettag $0x0;
	lr =	simm.s32 $0x1  }
0x2: {  	[smem:$0x3F9F] =	sst lr;
	_ =	strace $0xD0000000  }
0x3: {  	_ = 	snop  }
0x4: {  	_ = 	snop  }
0x5: {  	_ = 	snop  }
0x6: {  	_ = 	snop  }
0x7: {  	_ = 	snop  }
__scs_overlays_trampoline_lowered:
0x8: {  	[smem:$0x3FAE] =	sst s0  }
0x9: {  	[smem:$0x3FAF] =	sst s1  }
0xa: {  	[smem:$0x3FB0] =	sst s2  }
0xb: {  	[smem:$0x3FB1] =	sst s3  }
0xc: {  	[smem:$0x3FB2] =	sst s4  }
0xd: {  	[smem:$0x3FB3] =	sst s5  }
0xe: {  	[smem:$0x3FB4] =	sst s6  }
0xf: {  	[smem:$0x3FB5] =	sst s7  }
0x10: {  	[smem:$0x3FB6] =	sst s8  }
0x11: {  	[smem:$0x3FB7] =	sst s9;
	s0 =	simm.s32 @!p0 $0x0  }
0x12: {  	s1 =	sld [smem:$0x3F9D];
	s0 =	simm.s32 @p0 $0x1  }
0x13: {  	[smem:$0x3FB8] =	sst s0;
	s0 =	simm.s32 @!p1 $0x0  }
0x14: {  	s2 =	sld [smem:$0x3F9C];
	s0 =	simm.s32 @p1 $0x1  }
0x15: {  	[smem:$0x3FB9] =	sst s0;
	s0 =	simm.s32 @!p2 $0x0  }
0x16: {  	s3 =	sld [smem:$0x3FDB];
	s0 =	simm.s32 @p2 $0x1  }
0x17: {  	s4 =	simm.s32 $0x1BF5;
	[smem:$0x3FBB] =	sst s0  }
0x18: {  	s0 =	sld [smem:$0x3F9E];
	_ =	swait.ge [sflag:s4], $0x0  }
0x19: {  	s7 =	sld [smem:$0x3F9F]  }
0x1a: {  	s8 =	sadd.s32 $0xFFFFE003, lr  }
0x1b: {  	s9 =	sadd.s32 $0xFFFFFEF7, lr;
	s5 =	simm.s32 $0xFFFFFFFF;
	p2 =	slt.u32 s8, $0xFFFFF086  }
0x1c: {  	p1 =	slt.u32 s9, $0xF7A;
	s5 =	simm.s32 @!p2 $0x0  }
0x1d: {  	s5 =	simm.s32 @p1 $0x1;
	p0 =	seq.s32 s7, s2  }
0x1e: {  	s7 =	smul.u32 @!p0 $0xF7A, s2;
	p2 =	seq.s32 @!p0 s5, $0x0  }
0x1f: {  	s9 =	smul.u32 $0xF7A, s1;
	s8 =	simm.s32 @!p0 $0x1BF5;
	p2 =	por !p2, p0  }
0x20: {  	[sflag:s8] =	ssyncset.s32 @!p0 $0xFFFFF086;
	s6 =	sadd.s32 @!p0 s3, s7;
	s7 =	simm.s32 @!p0 $0x108  }
0x21: {  	s3 =	sadd.s32 s3, s9;
	s6 =	sadd.s32 @!p0 $0x88, s6;
	s7 =	simm.s32 @p2 $0x1082  }
0x22: {  	[simem:s7], [sflag:s8] =	dma.local @!p0 [hbm:s6], $0xF7A  }
0x23: {  	s9 =	sor.u32 $0xD0000000, s2;
	s6 =	simm.s32 $0x108;
	_ =	swait.ge @!p0 [sflag:s8], $0x0  }
0x24: {  	s3 =	sadd.s32 $0x88, s3;
	s6 =	simm.s32 @!p1 $0x1082;
	[sflag:s4] =	ssyncset.s32 $0xFFFFF086  }
0x25: {  	[simem:s6], [sflag:s4] =	dma.local [hbm:s3], $0xF7A  }
0x26: {  	[smem:$0x3F9F] =	sst s1;
	(tag) =	ssettag s2;
	_ =	strace s9  }
0x27: {  	s1 =	sld [smem:$0x3FAF]  }
0x28: {  	s2 =	sld [smem:$0x3FB0]  }
0x29: {  	s4 =	sld [smem:$0x3FB2]  }
0x2a: {  	p0 =	seq.s32 s5, $0x0;
	s5 =	sld [smem:$0x3FB3]  }
0x2b: {  	s6 =	sld [smem:$0x3FB4]  }
0x2c: {  	s7 =	sld [smem:$0x3FB5]  }
0x2d: {  	s3 =	simm.s32 $0x108;
	s8 =	sld [smem:$0x3FB6]  }
0x2e: {  	s3 =	simm.s32 @!p0 $0x1082;
	s9 =	sld [smem:$0x3FB7]  }
0x2f: {  	lr =	sadd.s32 s0, s3;
	s0 =	sld [smem:$0x3FAE]  }
0x30: {  	s3 =	sld [smem:$0x3FB1]  }
0x31: {  	[smem:$0x3FBA] =	sst s10  }
0x32: {  	s10 =	sld [smem:$0x3FB8];
	_ =	sdelay $0x3  }
0x33: {  	p0 =	seq.s32 s10, $0x1;
	s10 =	sld [smem:$0x3FBA];
	_ =	sdelay $0x3  }
0x34: {  	[smem:$0x3FBA] =	sst s10  }
0x35: {  	s10 =	sld [smem:$0x3FB9];
	_ =	sdelay $0x3  }
0x36: {  	p1 =	seq.s32 s10, $0x1;
	s10 =	sld [smem:$0x3FBA];
	_ =	sdelay $0x3  }
0x37: {  	[smem:$0x3FBA] =	sst s10  }
0x38: {  	s10 =	sld [smem:$0x3FBB]  }
0x39: {  	_ = 	snop;
	(pc) =	sbr.ind lr, $3  }
0x3a: {  	_ = 	snop  }
0x3b: {  	_ = 	snop  }
0x3c: {  	p2 =	seq.s32 s10, $0x1;
	s10 =	sld [smem:$0x3FBA]  }
0x3d: {  	_ =	shalt  }
0x3e: {  	_ =	shalt  }
0x3f: {  	_ =	shalt  }
0x40: {  	_ =	shalt  }
0x41: {  	_ =	shalt  }
0x42: {  	_ =	shalt  }
0x43: {  	_ =	shalt  }
0x44: {  	_ =	shalt  }
0x45: {  	_ =	shalt  }
0x46: {  	_ =	shalt  }
0x47: {  	_ =	shalt  }
0x48: {  	_ =	shalt  }
0x49: {  	_ =	shalt  }
0x4a: {  	_ =	shalt  }
0x4b: {  	_ =	shalt  }
0x4c: {  	_ =	shalt  }
0x4d: {  	_ =	shalt  }
0x4e: {  	_ =	shalt  }
0x4f: {  	_ =	shalt  }
0x50: {  	_ =	shalt  }
0x51: {  	_ =	shalt  }
0x52: {  	_ =	shalt  }
0x53: {  	_ =	shalt  }
0x54: {  	_ =	shalt  }
0x55: {  	_ =	shalt  }
0x56: {  	_ =	shalt  }
0x57: {  	_ =	shalt  }
0x58: {  	_ =	shalt  }
0x59: {  	_ =	shalt  }
0x5a: {  	_ =	shalt  }
0x5b: {  	_ =	shalt  }
0x5c: {  	_ =	shalt  }
0x5d: {  	_ =	shalt  }
0x5e: {  	_ =	shalt  }
0x5f: {  	_ =	shalt  }
0x60: {  	_ =	shalt  }
0x61: {  	_ =	shalt  }
0x62: {  	_ =	shalt  }
0x63: {  	_ =	shalt  }
0x64: {  	_ =	shalt  }
0x65: {  	_ =	shalt  }
0x66: {  	_ =	shalt  }
0x67: {  	_ =	shalt  }
0x68: {  	_ =	shalt  }
0x69: {  	_ =	shalt  }
0x6a: {  	_ =	shalt  }
0x6b: {  	_ =	shalt  }
0x6c: {  	_ =	shalt  }
0x6d: {  	_ =	shalt  }
0x6e: {  	_ =	shalt  }
0x6f: {  	_ =	shalt  }
0x70: {  	_ =	shalt  }
0x71: {  	_ =	shalt  }
0x72: {  	_ =	shalt  }
0x73: {  	_ =	shalt  }
0x74: {  	_ =	shalt  }
0x75: {  	_ =	shalt  }
0x76: {  	_ =	shalt  }
0x77: {  	_ =	shalt  }
0x78: {  	_ =	shalt  }
0x79: {  	_ =	shalt  }
0x7a: {  	_ =	shalt  }
0x7b: {  	_ =	shalt  }
0x7c: {  	_ =	shalt  }
0x7d: {  	_ =	shalt  }
0x7e: {  	_ =	shalt  }
0x7f: {  	_ =	shalt  }
0x80: {  	_ =	shalt  }
0x81: {  	_ =	shalt  }
0x82: {  	_ =	shalt  }
0x83: {  	_ =	shalt  }
0x84: {  	_ =	shalt  }
0x85: {  	_ =	shalt  }
0x86: {  	_ =	shalt  }
0x87: {  	_ =	shalt  }
.Lfunc_end0:
.L_simem_size_0:
called_computation_lowered:
.L_overlay_start_0:
0x88: {  	s2 =	sld [smem:$0x3FD9]  }
0x89: {  	s3 =	sld [smem:$0x3FFE];
	_ =	sdelay $0x1  }
0x8a: {  	s1 =	srdreg.scid  }
0x8b: {  	s0 =	sand.u32 $0x1, s1  }
0x8c: {  	s16 =	sshll.u32 s0, $0xA;
	s2 =	sadd.s32 s3, s2  }
0x8d: {  	s2 =	sadd.s32 s2, s16  }
0x8e: {  	[smem:$0x3FC6] =	sst s2  }
0x8f: {  	_ = 	snop  }
0x90: {  	(tm) =	ssettm $0x1  }
0x91: {  	s17 =	sld [smem:$0x3FFB];
	_ =	sdelay $0x3  }
0x92: {  	_ =	strace s17  }
0x93: {  	s2 =	sld [smem:$0x3FFC];
	_ =	sdelay $0x3  }
0x94: {  	_ =	strace s2  }
0x95: {  	s2 =	sld [smem:$0x3FFD];
	_ =	sdelay $0x3  }
0x96: {  	_ =	strace s2  }
0x97: {  	_ =	strace $0x8FFFFFFF  }
0x98: {  	s18 =	sld [smem:$0x3FDB];
	_ =	sdelay $0x1  }
0x99: {  	s19 =	simm.s32 $_scs_section_size  }
0x9a: {  	s4 =	simm.s32 $_size__tile_overlayer_lowered;
	s5 =	simm.s32 $_tile_overlayer_lowered  }
0x9b: {  	s22 =	simm.s32 $0x1BFF;
	s21 =	sshll.u32 s5, $0x1;
	s2 =	sadd.s32 s19, s18  }
0x9c: {  	s6 =	simm.s32 $0x0;
	s20 =	sshll.u32 s4, $0x1;
	s4 =	sadd.s32 s21, s2  }
0x9d: {  	[timem:s6], [sflag:s22] =	dma.local [hbm:s4], s20  }
0x9e: {  	_ =	swait.ge [sflag:s22], s20  }
0x9f: {  	s3 =	ssub.s32 $0x0, s20;
	[sflag:s22] =	ssyncset.done $0x0  }
0xa0: {  	[sflag:s22] =	ssyncadd.s32 s3;
	_ =	sdelay $0x1  }
0xa1: {  	s23 =	simm.s32 $0x1B8B  }
0xa2: {  	_ =	swait.ge [sflag:s23], $0x1  }
0xa3: {  	[sflag:s23] =	ssyncset.done $0x0  }
0xa4: {  	s25 =	simm.s32 $0x1B8E;
	s24 =	sld [smem:$0x3FFE];
	[sflag:s23] =	ssyncadd.s32 $0xFFFFFFFF  }
0xa5: {  	s26 =	simm.s32 $execute0_lowered;
	[smem:$0x3FD2] =	sst s25  }
0xa6: {  	s4 =	sshll.u32 s26, $0x1;
	_ =	strace $0x80000046;
	[dreg:$0x1] =	wrdreg $0xFFFFFFFF  }
0xa7: {  	s28 =	simm.s32 $_size_execute0_lowered;
	s2 =	sadd.s32 s2, s4;
	[dreg:$0x0] =	wrdreg $0x0  }
0xa8: {  	s4 =	sshll.u32 s28, $0x1;
	[dreg:$0x2] =	wrdreg s2  }
0xa9: {  	[dreg:$0x3] =	wrdreg s4  }
0xaa: {  	[dreg:$0x4] =	wrdreg $0xC0  }
0xab: {  	_ =	task [dreg:s6], $0x5FFFF  }
0xac: {  	[dreg:$0x1] =	wrdreg $0xFFFFFFFF  }
0xad: {  	[dreg:$0x0] =	wrdreg $0x60  }
0xae: {  	[dreg:$0x2] =	wrdreg s24  }
0xaf: {  	[dreg:$0x3] =	wrdreg $0x9  }
0xb0: {  	_ =	task.clear_ibuf [dreg:s6], $0x4FFFF;
	_ =	strace $0x90000046  }
0xb1: {  	s29 =	simm.s32 $0x9;
	_ =	strace $0x80000048  }
0xb2: {  	_ =	swait.ge [sflag:s29], $0x1  }
0xb3: {  	[sflag:s29] =	ssyncadd.s32 $0xFFFFFFFF  }
0xb4: {  	_ =	strace $0x90000048  }
0xb5: {  	_ =	sfence  }
0xb6: {  	s30 =	sld [smem:$0x0];
	_ =	sdelay $0x2  }
0xb7: {  	s31 =	sshll.u32 s1, $0xD;
	s1 =	sshrl.u32 s1, $0x2  }
0xb8: {  	s3 =	sand.u32 $0x4000, s31;
	s1 =	sadd.s32 s1, s30  }
0xb9: {  	s0 =	sor.u32 s3, s0;
	s1 =	sshll.u32 s1, $0x11  }
0xba: {  	s0 =	sor.u32 s1, s0  }
0xbb: {  	s0 =	sadd.s32 $0x8F2B, s0  }
0xbc: {  	[sflag:s0] =	ssyncadd.remote.s32 $0x1  }
0xbd: {  	_ =	sfence.sel $0xFFFF  }
0xbe: {  	[dreg:$0x0] =	wrdreg $0xFFFFFFFF;
	(pc) =	sbr.abs _section_cstart, $3  }
0xbf: {  	[dreg:$0x1] =	wrdreg $0xFFFFFFFF  }
0xc0: {  	_ =	task.clear_ibuf [dreg:s6], $0x2FFFF;
	_ =	strace $0x9FFFFFFF  }
0xc1: {  	(tm) =	ssettm $0x7FFFFFFF  }
tec
execute0_lowered:
.L_overlay_start_1:
0x0: {  	(tag) =	ssettag $0x1  }
0x1: {  	v1 =	vimm.s32 $0xF4F3F2F1  }
0x2: {  	v2 =	vimm.s32 $0xF8F7F6F5;
	v0 =	vlaneseq.u32;
	vm0 =	vcmask $0x1F10  }
0x3: {  	v5 =	vimm.s32 $0xFCFBFAF9;
	v6 =	vimm.s32 $0xFFFEFD;
	v7 =	vimm.s32 $0xF5F4F3F2  }
0x4: {  	v8 =	vimm.s32 $0xFDFCFBFA;
	v9 =	vimm.s32 $0x100FFFE;
	v10 =	vimm.s32 $0xFAF9F8F7  }
0x5: {  	v12 =	vimm.s32 $0xFEFDFCFB;
	v16 =	vimm.s32 $0x20100FF;
	v17 =	vimm.s32 $0x3020100  }
0x6: {  	v18 =	vimm.s32 $0xFFFEFDFC;
	v19 =	vimm.s32 $0xF7F6F5F4;
	v20 =	vimm.s32 $0xFBFAF9F8  }
0x7: {  	v58 =	vimm.s32 $0x87654321;
	v59 =	vimm.s32 $0xA9876543;
	v3 =	vunpack.c.0.s8.s32 v1  }
0x8: {  	v4 =	vunpack.c.0.s8.s32 v2;
	v5 =	vunpack.c.0.s8.s32 v5;
	v13 =	vunpack.c.0.s8.s32 v6  }
0x9: {  	v6 =	vunpack.c.0.s8.s32 v7;
	v7 =	vimm.s32 $0xF9F8F7F6;
	v8 =	vunpack.c.0.s8.s32 v8  }
0xa: {  	v14 =	vunpack.c.0.s8.s32 v9;
	v9 =	vimm.s32 $0xF6F5F4F3;
	v10 =	vunpack.c.0.s8.s32 v10  }
0xb: {  	v12 =	vunpack.c.0.s8.s32 v12;
	v16 =	vunpack.c.0.s8.s32 v16;
	v17 =	vunpack.c.0.s8.s32 v17  }
0xc: {  	v18 =	vunpack.c.0.s8.s32 v18;
	v19 =	vunpack.c.0.s8.s32 v19;
	v20 =	vunpack.c.0.s8.s32 v20  }
0xd: {  	v7 =	vunpack.c.0.s8.s32 v7;
	v9 =	vunpack.c.0.s8.s32 v9;
	v3 =	vsel vm0, v4, v3  }
0xe: {  	v11 =	vsel vm0, v13, v5;
	v15 =	vsel vm0, v14, v8;
	v22 =	vsel vm0, v16, v12  }
0xf: {  	v23 =	vsel vm0, v5, v4;
	v5 =	vimm.s32 $0x5040302;
	v6 =	vsel vm0, v7, v6  }
0x10: {  	v21 =	vcombine.low v3, v11;
	v3 =	vsel vm0, v10, v9;
	v9 =	vsel vm0, v17, v18  }
0x11: {  	v17 =	vsel vm0, v20, v19;
	v19 =	vcombine.low v3, v22;
	v3 =	vimm.s32 $0x4030201  }
0x12: {  	v6 =	vcombine.low v6, v15;
	v9 =	vcombine.low v17, v9;
	v17 =	vunpack.c.0.s8.s32 v3  }
0x13: {  	v60 =	vimm.s32 $0x32107654;
	v61 =	vimm.s32 $0x54329876;
	v57 =	vunpack.c.0.s8.s32 v5  }
0x14: {  	v8 =	vsel vm0, v8, v7;
	v5 =	vand.u32 $0xFF, v6;
	v17 =	vsel vm0, v17, v13  }
0x15: {  	v6 =	vand.u32 $0xFF, v19;
	v19 =	vsel vm0, v57, v14;
	v17 =	vcombine.low v23, v17  }
0x16: {  	v7 =	vand.u32 $0xFF, v9;
	v9 =	vcombine.low v8, v19;
	v19 =	vimm.s32 $0x6050403  }
0x17: {  	v8 =	vand.u32 $0xFF, v17;
	v17 =	vunpack.c.0.s8.s32 v19;
	v19 =	vimm.s32 $0x76543210  }
0x18: {  	vm15 =	vcmask $0x2F10;
	v62 =	vimm.s32 $0xB0A0908;
	v19 =	vunpack.c.l.s4.s8 v19  }
0x19: {  	v10 =	vsel vm0, v12, v10;
	v12 =	vunpack.c.l.s4.s8 v58;
	v17 =	vsel vm0, v17, v16  }
0x1a: {  	v10 =	vcombine.low v10, v17;
	v17 =	vunpack.c.0.s8.s32 v19;
	v19 =	vimm.s32 $0x98765432  }
0x1b: {  	vm1 =	vcmask $0x3F30;
	v12 =	vunpack.c.0.s8.s32 v12;
	v19 =	vunpack.c.l.s4.s8 v19  }
0x1c: {  	v20 =	vsel vm0, v18, v20;
	v4 =	vand.u32 $0xFF, v21;
	v21 =	vunpack.c.l.s4.s8 v59  }
0x1d: {  	v12 =	vand.u32 $0xF, v12;
	v17 =	vcombine.low v20, v17;
	v19 =	vunpack.c.0.s8.s32 v19  }
0x1e: {  	v1 =	vmul.u32 $0x100, v0;
	v12 =	vcombine.low v11, v12;
	v20 =	vunpack.c.0.s8.s32 v21  }
0x1f: {  	v11 =	vand.u32 $0xFF, v17;
	v17 =	vand.u32 $0xF, v19;
	v19 =	vunpack.c.l.s4.s8 v60  }
0x20: {  	v2 =	vand.u32 $0x7, v0;
	v21 =	vunpack.c.l.s4.s8 v61;
	v15 =	vcombine.low v15, v17  }
0x21: {  	v17 =	vand.u32 $0xF, v20;
	v20 =	vimm.s32 $0x43218765;
	v19 =	vunpack.c.0.s8.s32 v19  }
0x22: {  	v18 =	vand.u32 $0xFF, v18;
	v3 =	vor.u32 $0xF0, v0;
	v20 =	vunpack.c.l.s4.s8 v20  }
0x23: {  	s1 =	srdreg.scid;
	v14 =	vand.u32 $0xFF, v14;
	v21 =	vunpack.c.0.s8.s32 v21;
	v19 =	vand.u32 $0xF, v19  }
0x24: {  	s0 =	stileid.u32;
	s4 =	rddreg [dreg:$0x0];
	s2 =	simm.s32 $0x0;
	v18 =	vsel vm15, v19, v18;
	v19 =	vunpack.c.0.s8.s32 v20;
	v20 =	vimm.s32 $0x6543A987  }
0x25: {  	s8 =	simm.s32 $0x3;
	s9 =	simm.s32 $0x1388;
	s10 =	simm.s32 $0x40;
	v13 =	vand.u32 $0xFF, v13;
	v9 =	vand.u32 $0xFF, v9;
	v20 =	vunpack.c.l.s4.s8 v20  }
0x26: {  	s11 =	simm.s32 $0x2710;
	s12 =	simm.s32 $0xA710;
	s13 =	simm.s32 $0x1;
	v12 =	vand.u32 $0xFF, v12;
	v10 =	vand.u32 $0xFF, v10;
	v21 =	vand.u32 $0xF, v21  }
0x27: {  	s14 =	simm.s32 $0x2;
	s15 =	simm.s32 $0x6710;
	s16 =	simm.s32 $0xE710;
	v17 =	vcombine.low v22, v17;
	v22 =	vunpack.c.0.s8.s32 v62;
	v20 =	vunpack.c.0.s8.s32 v20  }
0x28: {  	s17 =	simm.s32 $0x12710;
	s3 =	sand.u32 $0x1, s1;
	s5 =	sshll.u32 s0, $0x1;
	v21 =	vsel vm15, v21, v14;
	v14 =	vand.u32 $0xFF, v16;
	v19 =	vand.u32 $0xF, v19  }
.Ltmp0:
0x29: {  	s18 =	simm.s32 $0x0;
	s5 =	sor.u32 s3, s5;
	v19 =	vsel vm15, v19, v13;
	v13 =	vimm.s32 $0xC0B0A09;
	v16 =	vand.u32 $0xF, v20;
	(pc) =	sbr.rel .LBB2_1-.Ltmp0, $4  }
0x2a: {  	[smem:$0x7FF] =	sst s2;
	s6 =	ssub.s32 $0x2, s3;
	s5 =	smul.u32 $0x271, s5;
	v20 =	vsel vm15, v16, v14;
	v14 =	vimm.s32 $0xD0C0B0A;
	v16 =	vimm.s32 $0xE0D0C0B  }
0x2b: {  	s1 =	rddreg [dreg:$0x1];
	_ =	strace $0x80000047;
	s7 =	sshrl.u32 s6, $0x1;
	v63 =	vunpack.c.0.s8.s32 v13;
	v24 =	vunpack.c.0.s8.s32 v14;
	v25 =	vunpack.c.0.s8.s32 v16  }
0x2c: {  	s3 =	sadd.s32 $0xA000, s4;
	s7 =	ssub.s32 s6, s7;
	s4 =	sadd.s32 s4, s5;
	v13 =	vand.u32 $0xFF, v15;
	v15 =	vsel vm1, v22, v18;
	v14 =	vand.u32 $0xFF, v17  }
0x2d: {  	s7 =	smax.u32 s7, $0x1;
	s5 =	sadd.s32 $0x5000, s4;
	s6 =	sadd.s32 $0x58200, s4;
	v16 =	vsel vm1, v63, v19;
	v17 =	vsel vm1, v24, v21;
	v18 =	vsel vm1, v25, v20  }
.LBB2_12:
0x2e: {  	s18 =	sadd.s32 $0x1, s18  }
0x2f: {  	p0 =	sne.s32 s18, s7  }
.Ltmp1:
0x30: {  	_ = 	snop;
	(pc) =	sbr.rel @!p0 .LBB2_13-.Ltmp1, $4  }
0x31: {  	[hbm4b:s6+s2] =	stream.linear.scatter [tilespmem:s17], [sflag:$0x3], $0x1388, $0x38;
	[tilespmem:$0x13A98] =	vst v63  }
0x32: {  	_ =	swait.ge [sflag:s8], $0x1388  }
0x33: {  	[sflag:s8] =	ssyncset.done $0x0  }
0x34: {  	[sflag:s8] =	ssyncadd.s32 $0xFFFFEC78  }
.LBB2_1:
0x35: {  	[tilespmem:s2], [sflag:$0x3] =	stream.linear.gather [hbm4b:s5+s2], $0x1388, $0x38;
	[tilespmem:$0x13A98] =	vst v63  }
0x36: {  	_ =	swait.ge [sflag:s8], $0x1388  }
0x37: {  	[sflag:s8] =	ssyncset.done $0x0  }
0x38: {  	[sflag:s8] =	ssyncadd.s32 $0xFFFFEC78  }
0x39: {  	[tilespmem:s9], [sflag:$0x3] =	stream.linear.gather [hbm4b:s4+s2], $0x1388, $0x38;
	[tilespmem:$0x13A98] =	vst v63  }
0x3a: {  	_ =	swait.ge [sflag:s8], $0x1388  }
.Ltmp2:
0x3b: {  	[sflag:s8] =	ssyncset.done $0x0;
	(pc) =	sbr.rel .LBB2_2-.Ltmp2, $4  }
0x3c: {  	[sflag:s8] =	ssyncadd.s32 $0xFFFFEC78  }
0x3d: {  	[tilespmem:s11], [sflag:$0x1] =	stream.indirect.gather [hbm4b:s3+s10], $0x100, s2, s10, $0xb8;
	[tilespmem:$0x13A98] =	vst v63  }
0x3e: {  	s19 =	simm.s32 $0x0  }
0x3f: {  	[tilespmem:s12], [sflag:$0x1] =	stream.indirect.gather [hbm4b:s3+s10], $0x100, s9, s10, $0xb8;
	[tilespmem:$0x13A98] =	vst v63  }
.LBB2_11:
0x40: {  	s19 =	sadd.s32 $0x1, s19  }
0x41: {  	p0 =	sne.s32 s19, $0x28  }
.Ltmp3:
0x42: {  	_ = 	snop;
	(pc) =	sbr.rel @!p0 .LBB2_12-.Ltmp3, $1  }
0x43: {  	_ =	sdelay $0x3  }
.LBB2_2:
0x44: {  	s20 =	sshllo.u32 s19, $0x1  }
0x45: {  	p0 =	sgt.u32 s20, $0x4E  }
0x46: {  	s21 =	sshll.u32 @!p0 s20, $0x6  }
0x47: {  	s22 =	simm.s32 @!p0 $0x40;
	s23 =	simm.s32 @!p0 $0x6710;
	s21 =	smin.u32 @!p0 s21, $0x1348  }
0x48: {  	[tilespmem:s23], [sflag:$0x2] =	stream.indirect.gather @!p0 [hbm4b:s3+s22], $0x100, s21, s22, $0xb8;
	[tilespmem:$0x13A98] =	vst v63  }
0x49: {  	s21 =	sadd.s32 @!p0 $0x1388, s21;
	s23 =	simm.s32 @!p0 $0xE710  }
0x4a: {  	[tilespmem:s23], [sflag:$0x2] =	stream.indirect.gather @!p0 [hbm4b:s3+s22], $0x100, s21, s22, $0xb8;
	[tilespmem:$0x13A98] =	vst v63  }
0x4b: {  	_ =	swait.ge [sflag:s13], $0x4000  }
0x4c: {  	[sflag:s13] =	ssyncset.done $0x0  }
0x4d: {  	s21 =	sshll.u32 s19, $0x7;
	[sflag:s13] =	ssyncadd.s32 $0xFFFFC000  }
0x4e: {  	s30 =	smin.u32 s21, $0x1348;
	_ =	swait.ge [sflag:s13], $0x4000  }
0x4f: {  	s31 =	sadd.s32 $0x12710, s30;
	[sflag:s13] =	ssyncset.done $0x0  }
0x50: {  	s22 =	simm.s32 $0x0;
	s23 =	simm.s32 $0x0;
	v19 =	vmov s31;
	[sflag:s13] =	ssyncadd.s32 $0xFFFFC000  }
.LBB2_3:
0x51: {  	s24 =	sshll.u32 s23, $0x4  }
0x52: {  	v20 =	vmov s24  }
0x53: {  	s25 =	simm.s32 $0x1;
	v23 =	vimm.f32 $0.0e+00;
	s26 =	simm.s32 $0xF;
	v20 =	vshll.u32 v20, $0x8  }
0x54: {  	s30 =	simm.s32 $0x2;
	s31 =	simm.s32 $0xE;
	v24 =	vadd.s32 s25, v0;
	v26 =	vadd.s32 s26, v0;
	v20 =	vor.u32 v1, v20  }
0x55: {  	s29 =	simm.s32 $0xB;
	v28 =	vadd.s32 s30, v0;
	v29 =	vadd.s32 s31, v0;
	v22 =	vor.u32 v0, v20  }
0x56: {  	v31 =	vadd.s32 s29, v0;
	v27 =	vand.u32 $0x1F8, v24;
	v25 =	vor.u32 s22, v22  }
0x57: {  	s31 =	simm.s32 $0xC;
	v24 =	vand.u32 $0x7, v24;
	v30 =	vand.u32 $0x1F8, v28;
	v27 =	vadd.s32 v20, v27  }
0x58: {  	s28 =	simm.s32 $0x3;
	s26 =	simm.s32 $0x5;
	v28 =	vand.u32 $0x7, v28;
	v34 =	vadd.s32 s31, v0;
	v24 =	vor.u32 v24, v27  }
0x59: {  	s29 =	simm.s32 $0x6;
	v36 =	vadd.s32 s26, v0;
	v30 =	vadd.s32 v20, v30;
	v27 =	vadd.s32 s28, v0  }
0x5a: {  	s30 =	simm.s32 $0x4;
	v39 =	vadd.s32 s29, v0;
	v28 =	vor.u32 v28, v30;
	v32 =	vand.u32 $0x1F8, v27  }
0x5b: {  	v30 =	vadd.s32 s30, v0;
	v27 =	vand.u32 $0x7, v27;
	v32 =	vadd.s32 v20, v32;
	v33 =	vld.idx.msk [tilespmem:v25+s11+$0x0], $0xffff  }
0x5c: {  	v45 =	vand.u32 $0x1F8, v36;
	v35 =	vand.u32 $0x1F8, v30;
	v27 =	vor.u32 v27, v32;
	v25 =	vld.idx.msk [tilespmem:v25+s12+$0x0], $0xffff  }
0x5d: {  	v36 =	vand.u32 $0x7, v36;
	v30 =	vand.u32 $0x7, v30;
	v35 =	vadd.s32 v20, v35;
	v63 =	vld.idx.msk [tilespmem:v24+s11+$0x0], $0xffff  }
0x5e: {  	s31 =	simm.s32 $0x7;
	s29 =	simm.s32 $0xA;
	v46 =	vand.u32 $0x1F8, v39;
	v39 =	vand.u32 $0x7, v39;
	v30 =	vor.u32 v30, v35;
	v24 =	vld.idx.msk [tilespmem:v24+s12+$0x0], $0xffff  }
0x5f: {  	v42 =	vadd.s32 s31, v0;
	v53 =	vadd.s32 s29, v0;
	v35 =	vadd.s32 v20, v45;
	v38 =	vld.idx.msk [tilespmem:v28+s11+$0x0], $0xffff  }
0x60: {  	v21 =	vor.u32 v2, v20;
	v35 =	vor.u32 v36, v35;
	v36 =	vadd.s32 v20, v46;
	v28 =	vld.idx.msk [tilespmem:v28+s12+$0x0], $0xffff  }
0x61: {  	v48 =	vand.u32 $0x1F8, v42;
	v42 =	vand.u32 $0x7, v42;
	s28 =	simm.s32 $0xD;
	s30 =	simm.s32 $0x9;
	v47 =	vor.u32 v39, v36;
	v41 =	vld.idx.msk [tilespmem:v27+s11+$0x0], $0xffff  }
0x62: {  	v37 =	vadd.s32 s28, v0;
	v40 =	vadd.s32 s30, v0;
	s28 =	simm.s32 $0x8;
	v27 =	vld.idx.msk [tilespmem:v27+s12+$0x0], $0xffff;
	v25 =	vmul.f32 v25, v33  }
0x63: {  	v43 =	vadd.s32 s28, v0;
	v52 =	vand.u32 $0x1F8, v40;
	v36 =	vadd.s32 v20, v48;
	v49 =	vld.idx.msk [tilespmem:v30+s11+$0x0], $0xffff  }
0x64: {  	v24 =	vmul.f32 v24, v63;
	v23 =	vadd.f32 v25, v23;
	v25 =	vld.idx.msk [tilespmem:v30+s12+$0x0], $0xffff;
	v30 =	vor.u32 v42, v36  }
0x65: {  	v56 =	vand.u32 $0x7, v40;
	v51 =	vand.u32 $0x1F8, v43;
	v57 =	vadd.s32 v20, v52;
	v50 =	vld.idx.msk [tilespmem:v35+s11+$0x0], $0xffff  }
0x66: {  	v54 =	vadd.s32 v21, v51;
	v55 =	vld.idx.msk [tilespmem:v47+s11+$0x0], $0xffff;
	v23 =	vadd.f32 v24, v23;
	v24 =	vmul.f32 v28, v38  }
0x67: {  	v58 =	vand.u32 $0x1F8, v53;
	v61 =	vand.u32 $0x7, v53;
	v59 =	vor.u32 v56, v57;
	v28 =	vld.idx.msk [tilespmem:v35+s12+$0x0], $0xffff  }
0x68: {  	v63 =	vand.u32 $0x1F8, v31;
	v23 =	vadd.f32 v24, v23;
	v24 =	vmul.f32 v27, v41;
	v27 =	vld.idx.msk [tilespmem:v47+s12+$0x0], $0xffff  }
0x69: {  	v62 =	vadd.s32 v20, v58;
	v31 =	vand.u32 $0x7, v31;
	v46 =	vadd.s32 v20, v63;
	v60 =	vld.idx.msk [tilespmem:v30+s11+$0x0], $0xffff  }
0x6a: {  	v23 =	vadd.f32 v24, v23;
	v24 =	vmul.f32 v25, v49;
	v25 =	vld.idx.msk [tilespmem:v30+s12+$0x0], $0xffff;
	v30 =	vor.u32 v61, v62  }
0x6b: {  	v45 =	vld.idx.msk [tilespmem:v54+s11+$0x0], $0xffff;
	v31 =	vor.u32 v31, v46;
	v47 =	vand.u32 $0x1F8, v34;
	v34 =	vand.u32 $0x7, v34  }
0x6c: {  	v48 =	vld.idx.msk [tilespmem:v59+s11+$0x0], $0xffff;
	v49 =	vadd.s32 v20, v47;
	v23 =	vadd.f32 v24, v23;
	v24 =	vmul.f32 v28, v50  }
0x6d: {  	v51 =	vor.u32 v34, v49;
	v28 =	vld.idx.msk [tilespmem:v54+s12+$0x0], $0xffff  }
0x6e: {  	v50 =	vand.u32 $0x1F8, v37;
	v23 =	vadd.f32 v24, v23;
	v24 =	vmul.f32 v27, v55;
	v27 =	vld.idx.msk [tilespmem:v59+s12+$0x0], $0xffff  }
0x6f: {  	v53 =	vand.u32 $0x7, v37;
	v54 =	vadd.s32 v20, v50;
	v55 =	vand.u32 $0x1F8, v29;
	v52 =	vld.idx.msk [tilespmem:v30+s11+$0x0], $0xffff  }
0x70: {  	v23 =	vadd.f32 v24, v23;
	v24 =	vmul.f32 v25, v60;
	v25 =	vld.idx.msk [tilespmem:v30+s12+$0x0], $0xffff;
	v30 =	vor.u32 v53, v54  }
0x71: {  	v58 =	vand.u32 $0x1F8, v26;
	v56 =	vld.idx.msk [tilespmem:v31+s11+$0x0], $0xffff;
	v29 =	vand.u32 $0x7, v29;
	v57 =	vadd.s32 v20, v55  }
0x72: {  	v59 =	vld.idx.msk [tilespmem:v31+s12+$0x0], $0xffff;
	v60 =	vor.u32 v29, v57;
	v23 =	vadd.f32 v24, v23;
	v24 =	vmul.f32 v28, v45  }
0x73: {  	v26 =	vand.u32 $0x7, v26;
	v29 =	vld.idx.msk [tilespmem:v51+s11+$0x0], $0xffff;
	v28 =	vadd.s32 v20, v58  }
0x74: {  	s25 =	simm.s32 $0x10;
	s26 =	simm.s32 $0x11;
	v33 =	vld.idx.msk [tilespmem:v51+s12+$0x0], $0xffff;
	v27 =	vmul.f32 v27, v48;
	v32 =	vor.u32 v26, v28;
	v61 =	vadd.f32 v24, v23  }
0x75: {  	s29 =	simm.s32 $0x1C;
	v41 =	vadd.s32 s26, v0;
	v28 =	vor.u32 s25, v22;
	v31 =	vld.idx.msk [tilespmem:v30+s11+$0x0], $0xffff  }
0x76: {  	s30 =	simm.s32 $0x1F;
	s28 =	simm.s32 $0x1E;
	v26 =	vadd.s32 s29, v0;
	v63 =	vmul.f32 v25, v52;
	v35 =	vld.idx.msk [tilespmem:v30+s12+$0x0], $0xffff;
	v62 =	vadd.f32 v27, v61  }
0x77: {  	s31 =	simm.s32 $0x1B;
	s29 =	simm.s32 $0x12;
	v42 =	vmul.f32 v59, v56;
	v23 =	vadd.s32 s30, v0;
	v24 =	vadd.s32 s28, v0;
	v34 =	vld.idx.msk [tilespmem:v60+s11+$0x0], $0xffff  }
0x78: {  	s30 =	simm.s32 $0x1D;
	s28 =	simm.s32 $0x14;
	v39 =	vadd.s32 s29, v0;
	v37 =	vld.idx.msk [tilespmem:v60+s12+$0x0], $0xffff;
	v27 =	vadd.s32 s31, v0;
	s31 =	simm.s32 $0x13;
	v40 =	vadd.f32 v63, v62  }
0x79: {  	s26 =	simm.s32 $0x20;
	v25 =	vadd.s32 s30, v0;
	v30 =	vadd.s32 s28, v0;
	v38 =	vadd.s32 s31, v0;
	v36 =	vld.idx.msk [tilespmem:v32+s11+$0x0], $0xffff  }
.LBB2_4:
0x7a: {  	p1 =	slt.u32 s26, $0xE0;
	v43 =	vand.u32 $0x1F8, v41;
	v40 =	vadd.f32 v42, v40;
	v29 =	vmul.f32 v33, v29;
	v32 =	vld.idx.msk [tilespmem:v32+s12+$0x0], $0xffff  }
0x7b: {  	v33 =	vand.u32 $0x7, v41;
	v42 =	vand.u32 $0x1F8, v39;
	v41 =	vadd.s32 v20, v43  }
0x7c: {  	v31 =	vmul.f32 v35, v31;
	v33 =	vor.u32 v33, v41;
	v29 =	vadd.f32 v29, v40  }
0x7d: {  	v35 =	vand.u32 $0x7, v39;
	v39 =	vadd.s32 v20, v42;
	v40 =	vand.u32 $0x1F8, v38  }
0x7e: {  	v35 =	vor.u32 v35, v39;
	v29 =	vadd.f32 v31, v29;
	v31 =	vmul.f32 v37, v34  }
0x7f: {  	v39 =	vand.u32 $0x1F8, v30;
	v37 =	vand.u32 $0x7, v38;
	v38 =	vadd.s32 v20, v40;
	v34 =	vld.idx.msk [tilespmem:v28+s11+$0x0], $0xffff  }
0x80: {  	s28 =	sadd.s32 $0x5, s25;
	v37 =	vor.u32 v37, v38;
	v28 =	vld.idx.msk [tilespmem:v28+s12+$0x0], $0xffff;
	v29 =	vadd.f32 v31, v29;
	v31 =	vmul.f32 v32, v36  }
0x81: {  	v30 =	vand.u32 $0x7, v30;
	v38 =	vadd.s32 s28, v0;
	v36 =	vadd.s32 v20, v39;
	v32 =	vld.idx.msk [tilespmem:v33+s11+$0x0], $0xffff  }
0x82: {  	s28 =	sadd.s32 $0x6, s25;
	v30 =	vor.u32 v30, v36;
	v36 =	vand.u32 $0x1F8, v38;
	v33 =	vld.idx.msk [tilespmem:v33+s12+$0x0], $0xffff;
	v29 =	vadd.f32 v31, v29  }
0x83: {  	v39 =	vadd.s32 s28, v0;
	s28 =	sadd.s32 $0x9, s25;
	v38 =	vand.u32 $0x7, v38;
	v36 =	vadd.s32 v20, v36;
	v31 =	vld.idx.msk [tilespmem:v35+s11+$0x0], $0xffff  }
0x84: {  	s29 =	sadd.s32 $0x7, s25;
	v40 =	vadd.s32 s28, v0;
	v36 =	vor.u32 v38, v36;
	v38 =	vand.u32 $0x1F8, v39;
	v35 =	vld.idx.msk [tilespmem:v35+s12+$0x0], $0xffff  }
0x85: {  	v42 =	vadd.s32 s29, v0;
	v39 =	vand.u32 $0x7, v39;
	v38 =	vadd.s32 v20, v38;
	v41 =	vld.idx.msk [tilespmem:v37+s11+$0x0], $0xffff  }
0x86: {  	s28 =	sadd.s32 $0x8, s25;
	v28 =	vmul.f32 v28, v34;
	v34 =	vld.idx.msk [tilespmem:v37+s12+$0x0], $0xffff;
	v37 =	vor.u32 v39, v38;
	v38 =	vand.u32 $0x1F8, v42  }
0x87: {  	v43 =	vadd.s32 s28, v0;
	v42 =	vand.u32 $0x7, v42;
	v39 =	vld.idx.msk [tilespmem:v30+s11+$0x0], $0xffff;
	v38 =	vadd.s32 v20, v38  }
0x88: {  	s28 =	sadd.s32 $0xA, s25;
	s25 =	smov.u32 s26;
	v28 =	vadd.f32 v28, v29;
	v29 =	vmul.f32 v33, v32;
	v30 =	vld.idx.msk [tilespmem:v30+s12+$0x0], $0xffff;
	v32 =	vor.u32 v42, v38  }
0x89: {  	v38 =	vand.u32 $0x1F8, v43;
	v42 =	vand.u32 $0x1F8, v40;
	v43 =	vadd.s32 s28, v0;
	v33 =	vld.idx.msk [tilespmem:v36+s11+$0x0], $0xffff  }
0x8a: {  	v28 =	vadd.f32 v29, v28;
	v29 =	vmul.f32 v35, v31;
	v35 =	vadd.s32 v21, v38;
	v31 =	vld.idx.msk [tilespmem:v36+s12+$0x0], $0xffff  }
0x8b: {  	v38 =	vand.u32 $0x7, v40;
	v40 =	vadd.s32 v20, v42;
	v42 =	vand.u32 $0x1F8, v43;
	v36 =	vld.idx.msk [tilespmem:v37+s11+$0x0], $0xffff  }
0x8c: {  	v28 =	vadd.f32 v29, v28;
	v29 =	vmul.f32 v34, v41;
	v34 =	vld.idx.msk [tilespmem:v37+s12+$0x0], $0xffff;
	v37 =	vor.u32 v38, v40  }
0x8d: {  	v41 =	vadd.s32 v20, v42;
	v42 =	vand.u32 $0x1F8, v27;
	v40 =	vand.u32 $0x7, v43;
	v38 =	vld.idx.msk [tilespmem:v32+s11+$0x0], $0xffff  }
0x8e: {  	v28 =	vadd.f32 v29, v28;
	v29 =	vmul.f32 v30, v39;
	v30 =	vld.idx.msk [tilespmem:v32+s12+$0x0], $0xffff;
	v32 =	vor.u32 v40, v41  }
0x8f: {  	v27 =	vand.u32 $0x7, v27;
	v40 =	vadd.s32 v20, v42;
	v41 =	vand.u32 $0x1F8, v26;
	v39 =	vld.idx.msk [tilespmem:v35+s11+$0x0], $0xffff  }
0x90: {  	v28 =	vadd.f32 v29, v28;
	v29 =	vmul.f32 v31, v33;
	v27 =	vor.u32 v27, v40;
	v31 =	vld.idx.msk [tilespmem:v35+s12+$0x0], $0xffff  }
0x91: {  	v26 =	vand.u32 $0x7, v26;
	v40 =	vand.u32 $0x1F8, v25;
	v35 =	vadd.s32 v20, v41;
	v33 =	vld.idx.msk [tilespmem:v37+s11+$0x0], $0xffff  }
0x92: {  	v28 =	vadd.f32 v29, v28;
	v29 =	vmul.f32 v34, v36;
	v26 =	vor.u32 v26, v35;
	v34 =	vld.idx.msk [tilespmem:v37+s12+$0x0], $0xffff  }
0x93: {  	v25 =	vand.u32 $0x7, v25;
	v36 =	vadd.s32 v20, v40;
	v37 =	vand.u32 $0x1F8, v24;
	v35 =	vld.idx.msk [tilespmem:v32+s11+$0x0], $0xffff  }
0x94: {  	v25 =	vor.u32 v25, v36;
	v28 =	vadd.f32 v29, v28;
	v29 =	vmul.f32 v30, v38;
	v30 =	vld.idx.msk [tilespmem:v32+s12+$0x0], $0xffff  }
0x95: {  	v24 =	vand.u32 $0x7, v24;
	v32 =	vadd.s32 v20, v37;
	v37 =	vand.u32 $0x1F8, v23;
	v36 =	vld.idx.msk [tilespmem:v27+s11+$0x0], $0xffff  }
0x96: {  	v28 =	vadd.f32 v29, v28;
	v31 =	vmul.f32 v31, v39;
	v39 =	vor.u32 v24, v32;
	v38 =	vld.idx.msk [tilespmem:v27+s12+$0x0], $0xffff  }
0x97: {  	v23 =	vand.u32 $0x7, v23;
	v24 =	vadd.s32 v20, v37;
	v29 =	vld.idx.msk [tilespmem:v26+s11+$0x0], $0xffff  }
0x98: {  	s28 =	sadd.s32 $0xF, s26;
	v32 =	vor.u32 v23, v24;
	v27 =	vadd.f32 v31, v28;
	v34 =	vmul.f32 v34, v33;
	v33 =	vld.idx.msk [tilespmem:v26+s12+$0x0], $0xffff  }
.Ltmp4:
0x99: {  	s29 =	sadd.s32 $0xE, s26;
	v23 =	vadd.s32 s28, v0;
	v28 =	vor.u32 s26, v22;
	v31 =	vld.idx.msk [tilespmem:v25+s11+$0x0], $0xffff;
	(pc) =	sbr.rel @p1 .LBB2_4-.Ltmp4, $4  }
0x9a: {  	s30 =	sadd.s32 $0xC, s26;
	s31 =	sadd.s32 $0xD, s26;
	s28 =	sadd.s32 $0xB, s26;
	v24 =	vadd.s32 s29, v0;
	v37 =	vadd.f32 v34, v27;
	v40 =	vmul.f32 v30, v35;
	v35 =	vld.idx.msk [tilespmem:v25+s12+$0x0], $0xffff  }
0x9b: {  	s29 =	sadd.s32 $0x4, s26;
	v26 =	vadd.s32 s30, v0;
	v27 =	vadd.s32 s28, v0;
	v25 =	vadd.s32 s31, v0;
	v34 =	vld.idx.msk [tilespmem:v39+s11+$0x0], $0xffff  }
0x9c: {  	s30 =	sadd.s32 $0x2, s26;
	s28 =	sadd.s32 $0x1, s26;
	v30 =	vadd.s32 s29, v0;
	s31 =	sadd.s32 $0x3, s26;
	v40 =	vadd.f32 v40, v37;
	v42 =	vmul.f32 v38, v36;
	v37 =	vld.idx.msk [tilespmem:v39+s12+$0x0], $0xffff  }
0x9d: {  	v41 =	vadd.s32 s28, v0;
	s26 =	sadd.s32 $0x10, s26;
	v38 =	vadd.s32 s31, v0;
	v39 =	vadd.s32 s30, v0;
	v36 =	vld.idx.msk [tilespmem:v32+s11+$0x0], $0xffff  }
0x9e: {  	v22 =	vand.u32 $0x1F8, v41  }
0x9f: {  	v40 =	vadd.f32 v42, v40;
	v29 =	vmul.f32 v33, v29;
	v45 =	vand.u32 $0x7, v41  }
0xa0: {  	v46 =	vand.u32 $0x1F8, v39;
	v47 =	vand.u32 $0x7, v39;
	v22 =	vadd.s32 v20, v22  }
0xa1: {  	v49 =	vand.u32 $0x1F8, v38;
	v51 =	vand.u32 $0x7, v38;
	v22 =	vor.u32 v45, v22  }
0xa2: {  	v54 =	vand.u32 $0x1F8, v30;
	v59 =	vand.u32 $0x7, v30;
	v48 =	vadd.s32 v20, v46  }
0xa3: {  	v32 =	vld.idx.msk [tilespmem:v32+s12+$0x0], $0xffff;
	s26 =	sadd.s32 $0x5, s25;
	v31 =	vmul.f32 v35, v31;
	v52 =	vadd.s32 v20, v49;
	v33 =	vor.u32 v47, v48  }
0xa4: {  	v53 =	vld.idx.msk [tilespmem:v28+s11+$0x0], $0xffff;
	s28 =	sadd.s32 $0x6, s25;
	v57 =	vadd.s32 s26, v0;
	v60 =	vadd.s32 v20, v54;
	v29 =	vadd.f32 v29, v40  }
0xa5: {  	v55 =	vld.idx.msk [tilespmem:v28+s12+$0x0], $0xffff;
	v43 =	vadd.s32 s28, v0;
	v50 =	vmul.f32 v37, v34;
	v34 =	vor.u32 v51, v52  }
0xa6: {  	s29 =	sadd.s32 $0x7, s25;
	v61 =	vand.u32 $0x1F8, v57;
	v30 =	vor.u32 v59, v60;
	v29 =	vadd.f32 v31, v29;
	v58 =	vld.idx.msk [tilespmem:v22+s11+$0x0], $0xffff  }
0xa7: {  	v44 =	vand.u32 $0x1F8, v43;
	v45 =	vadd.s32 s29, v0;
	v62 =	vadd.s32 v20, v61;
	v22 =	vld.idx.msk [tilespmem:v22+s12+$0x0], $0xffff  }
0xa8: {  	v56 =	vmul.f32 v32, v36;
	v32 =	vand.u32 $0x7, v57;
	v29 =	vadd.f32 v50, v29;
	v63 =	vld.idx.msk [tilespmem:v33+s11+$0x0], $0xffff  }
0xa9: {  	v38 =	vand.u32 $0x7, v43;
	v47 =	vand.u32 $0x1F8, v45;
	v32 =	vor.u32 v32, v62;
	v33 =	vld.idx.msk [tilespmem:v33+s12+$0x0], $0xffff  }
0xaa: {  	s28 =	sadd.s32 $0x9, s25;
	v36 =	vadd.s32 v20, v44;
	v28 =	vmul.f32 v55, v53;
	v29 =	vadd.f32 v56, v29;
	v46 =	vld.idx.msk [tilespmem:v34+s11+$0x0], $0xffff  }
0xab: {  	v48 =	vand.u32 $0x7, v45;
	v51 =	vadd.s32 s28, v0;
	v36 =	vor.u32 v38, v36;
	v34 =	vld.idx.msk [tilespmem:v34+s12+$0x0], $0xffff  }
0xac: {  	s30 =	sadd.s32 $0x8, s25;
	v37 =	vadd.s32 v20, v47;
	v49 =	vld.idx.msk [tilespmem:v30+s11+$0x0], $0xffff;
	v28 =	vadd.f32 v28, v29;
	v22 =	vmul.f32 v22, v58  }
0xad: {  	v52 =	vor.u32 v48, v37;
	v55 =	vand.u32 $0x1F8, v51;
	v50 =	vadd.s32 s30, v0;
	v30 =	vld.idx.msk [tilespmem:v30+s12+$0x0], $0xffff  }
0xae: {  	s31 =	sadd.s32 $0xA, s25;
	v53 =	vand.u32 $0x1F8, v50;
	v54 =	vld.idx.msk [tilespmem:v32+s11+$0x0], $0xffff;
	v56 =	vmul.f32 v33, v63;
	v22 =	vadd.f32 v22, v28  }
0xaf: {  	v57 =	vadd.s32 s31, v0;
	v59 =	vadd.s32 v20, v55;
	v21 =	vadd.s32 v21, v53;
	v32 =	vld.idx.msk [tilespmem:v32+s12+$0x0], $0xffff  }
0xb0: {  	v29 =	vand.u32 $0x7, v51;
	v58 =	vld.idx.msk [tilespmem:v36+s11+$0x0], $0xffff;
	v60 =	vmul.f32 v34, v46;
	v22 =	vadd.f32 v56, v22  }
0xb1: {  	v61 =	vand.u32 $0x1F8, v57;
	v31 =	vand.u32 $0x7, v57;
	v29 =	vor.u32 v29, v59;
	v36 =	vld.idx.msk [tilespmem:v36+s12+$0x0], $0xffff  }
0xb2: {  	v62 =	vld.idx.msk [tilespmem:v52+s11+$0x0], $0xffff;
	v63 =	vmul.f32 v30, v49;
	v34 =	vadd.s32 v20, v61;
	v22 =	vadd.f32 v60, v22  }
0xb3: {  	v39 =	vand.u32 $0x1F8, v27;
	v40 =	vand.u32 $0x7, v27;
	v35 =	vld.idx.msk [tilespmem:v52+s12+$0x0], $0xffff;
	v31 =	vor.u32 v31, v34  }
0xb4: {  	v30 =	vadd.s32 v20, v39;
	v41 =	vld.idx.msk [tilespmem:v21+s11+$0x0], $0xffff;
	v42 =	vmul.f32 v32, v54;
	v22 =	vadd.f32 v63, v22  }
0xb5: {  	v43 =	vand.u32 $0x1F8, v26;
	v44 =	vand.u32 $0x7, v26;
	v21 =	vld.idx.msk [tilespmem:v21+s12+$0x0], $0xffff;
	v27 =	vor.u32 v40, v30  }
0xb6: {  	v45 =	vld.idx.msk [tilespmem:v29+s11+$0x0], $0xffff;
	v32 =	vadd.s32 v20, v43;
	v46 =	vmul.f32 v36, v58;
	v22 =	vadd.f32 v42, v22  }
0xb7: {  	v47 =	vand.u32 $0x1F8, v25;
	v48 =	vand.u32 $0x7, v25;
	v29 =	vld.idx.msk [tilespmem:v29+s12+$0x0], $0xffff;
	v26 =	vor.u32 v44, v32  }
0xb8: {  	v33 =	vadd.s32 v20, v47;
	v50 =	vmul.f32 v35, v62;
	v49 =	vld.idx.msk [tilespmem:v31+s11+$0x0], $0xffff;
	v22 =	vadd.f32 v46, v22  }
0xb9: {  	v51 =	vand.u32 $0x1F8, v24;
	v52 =	vand.u32 $0x7, v24;
	v25 =	vor.u32 v48, v33;
	v31 =	vld.idx.msk [tilespmem:v31+s12+$0x0], $0xffff  }
0xba: {  	v35 =	vadd.s32 v20, v51;
	v53 =	vld.idx.msk [tilespmem:v27+s11+$0x0], $0xffff;
	v21 =	vmul.f32 v21, v41;
	v22 =	vadd.f32 v50, v22  }
0xbb: {  	v55 =	vand.u32 $0x7, v23;
	v54 =	vand.u32 $0x1F8, v23;
	v24 =	vor.u32 v52, v35;
	v27 =	vld.idx.msk [tilespmem:v27+s12+$0x0], $0xffff  }
0xbc: {  	v28 =	vadd.s32 v20, v54;
	v57 =	vmul.f32 v29, v45;
	v56 =	vld.idx.msk [tilespmem:v26+s11+$0x0], $0xffff;
	v21 =	vadd.f32 v21, v22  }
0xbd: {  	v23 =	vor.u32 v55, v28;
	v26 =	vld.idx.msk [tilespmem:v26+s12+$0x0], $0xffff  }
0xbe: {  	v58 =	vld.idx.msk [tilespmem:v25+s11+$0x0], $0xffff;
	v59 =	vmul.f32 v31, v49;
	v21 =	vadd.f32 v57, v21  }
0xbf: {  	v25 =	vld.idx.msk [tilespmem:v25+s12+$0x0], $0xffff;
	v60 =	vor.u32 v3, v20  }
0xc0: {  	v61 =	vld.idx.msk [tilespmem:v24+s11+$0x0], $0xffff;
	v62 =	vmul.f32 v27, v53;
	v21 =	vadd.f32 v59, v21  }
0xc1: {  	v63 =	vor.u32 v4, v20;
	v24 =	vld.idx.msk [tilespmem:v24+s12+$0x0], $0xffff  }
0xc2: {  	v33 =	vld.idx.msk [tilespmem:v23+s11+$0x0], $0xffff;
	v34 =	vmul.f32 v26, v56;
	v21 =	vadd.f32 v62, v21  }
0xc3: {  	v35 =	vor.u32 v5, v20;
	v23 =	vld.idx.msk [tilespmem:v23+s12+$0x0], $0xffff  }
0xc4: {  	v36 =	vmul.f32 v25, v58;
	v37 =	vld.idx.msk [tilespmem:v60+s11+$0x0], $0xffff;
	v21 =	vadd.f32 v34, v21  }
0xc5: {  	v39 =	vor.u32 v6, v20;
	v38 =	vld.idx.msk [tilespmem:v60+s12+$0x0], $0xffff  }
0xc6: {  	v41 =	vld.idx.msk [tilespmem:v63+s11+$0x0], $0xffff;
	v40 =	vmul.f32 v24, v61;
	v21 =	vadd.f32 v36, v21  }
0xc7: {  	v42 =	vor.u32 v7, v20;
	v27 =	vld.idx.msk [tilespmem:v63+s12+$0x0], $0xffff  }
0xc8: {  	v44 =	vld.idx.msk [tilespmem:v35+s11+$0x0], $0xffff;
	v43 =	vmul.f32 v23, v33;
	v21 =	vadd.f32 v40, v21  }
0xc9: {  	v45 =	vor.u32 v8, v20;
	v26 =	vld.idx.msk [tilespmem:v35+s12+$0x0], $0xffff  }
0xca: {  	v47 =	vld.idx.msk [tilespmem:v39+s11+$0x0], $0xffff;
	v46 =	vmul.f32 v38, v37;
	v21 =	vadd.f32 v43, v21  }
0xcb: {  	v48 =	vld.idx.msk [tilespmem:v39+s12+$0x0], $0xffff;
	v49 =	vor.u32 v9, v20  }
0xcc: {  	v51 =	vld.idx.msk [tilespmem:v42+s11+$0x0], $0xffff;
	v50 =	vmul.f32 v27, v41;
	v21 =	vadd.f32 v46, v21  }
0xcd: {  	v53 =	vor.u32 v10, v20;
	v52 =	vld.idx.msk [tilespmem:v42+s12+$0x0], $0xffff  }
0xce: {  	v55 =	vld.idx.msk [tilespmem:v45+s11+$0x0], $0xffff;
	v54 =	vmul.f32 v26, v44;
	v21 =	vadd.f32 v50, v21  }
0xcf: {  	v56 =	vld.idx.msk [tilespmem:v45+s12+$0x0], $0xffff;
	v57 =	vor.u32 v11, v20  }
0xd0: {  	v58 =	vmul.f32 v48, v47;
	v60 =	vld.idx.msk [tilespmem:v49+s12+$0x0], $0xffff;
	v21 =	vadd.f32 v54, v21  }
0xd1: {  	v61 =	vor.u32 v12, v20;
	v59 =	vld.idx.msk [tilespmem:v49+s11+$0x0], $0xffff  }
0xd2: {  	v63 =	vld.idx.msk [tilespmem:v53+s11+$0x0], $0xffff;
	v62 =	vmul.f32 v52, v51;
	v21 =	vadd.f32 v58, v21  }
0xd3: {  	v33 =	vld.idx.msk [tilespmem:v53+s12+$0x0], $0xffff;
	v34 =	vor.u32 v13, v20  }
0xd4: {  	v35 =	vmul.f32 v56, v55;
	v37 =	vld.idx.msk [tilespmem:v57+s12+$0x0], $0xffff;
	v21 =	vadd.f32 v62, v21  }
0xd5: {  	v38 =	vor.u32 v14, v20;
	v36 =	vld.idx.msk [tilespmem:v57+s11+$0x0], $0xffff  }
0xd6: {  	v41 =	vld.idx.msk [tilespmem:v61+s12+$0x0], $0xffff;
	v39 =	vmul.f32 v60, v59;
	v21 =	vadd.f32 v35, v21  }
0xd7: {  	v42 =	vor.u32 v15, v20;
	v40 =	vld.idx.msk [tilespmem:v61+s11+$0x0], $0xffff  }
0xd8: {  	v44 =	vld.idx.msk [tilespmem:v34+s11+$0x0], $0xffff;
	v43 =	vmul.f32 v33, v63;
	v21 =	vadd.f32 v39, v21  }
0xd9: {  	v45 =	vld.idx.msk [tilespmem:v34+s12+$0x0], $0xffff;
	v46 =	vor.u32 v16, v20  }
0xda: {  	v48 =	vld.idx.msk [tilespmem:v38+s11+$0x0], $0xffff;
	v47 =	vmul.f32 v37, v36;
	v21 =	vadd.f32 v43, v21  }
0xdb: {  	v49 =	vld.idx.msk [tilespmem:v38+s12+$0x0], $0xffff;
	v50 =	vor.u32 v17, v20  }
0xdc: {  	v53 =	vld.idx.msk [tilespmem:v42+s12+$0x0], $0xffff;
	v51 =	vmul.f32 v41, v40;
	v21 =	vadd.f32 v47, v21  }
0xdd: {  	v52 =	vld.idx.msk [tilespmem:v42+s11+$0x0], $0xffff;
	v20 =	vor.u32 v18, v20  }
0xde: {  	v54 =	vmul.f32 v45, v44;
	v55 =	vld.idx.msk [tilespmem:v46+s11+$0x0], $0xffff;
	v21 =	vadd.f32 v51, v21  }
0xdf: {  	v56 =	vld.idx.msk [tilespmem:v46+s12+$0x0], $0xffff  }
0xe0: {  	v57 =	vmul.f32 v49, v48;
	v58 =	vld.idx.msk [tilespmem:v50+s11+$0x0], $0xffff;
	v21 =	vadd.f32 v54, v21  }
0xe1: {  	v59 =	vld.idx.msk [tilespmem:v50+s12+$0x0], $0xffff  }
0xe2: {  	v60 =	vmul.f32 v53, v52;
	v61 =	vld.idx.msk [tilespmem:v20+s11+$0x0], $0xffff;
	v21 =	vadd.f32 v57, v21  }
0xe3: {  	v20 =	vld.idx.msk [tilespmem:v20+s12+$0x0], $0xffff  }
0xe4: {  	v62 =	vmul.f32 v56, v55;
	v21 =	vadd.f32 v60, v21;
	_ =	sdelay $0x1  }
0xe5: {  	s23 =	sadd.s32 $0x1, s23;
	v63 =	vmul.f32 v59, v58;
	v21 =	vadd.f32 v62, v21  }
0xe6: {  	p1 =	sne.s32 s23, $0x4  }
.Ltmp5:
0xe7: {  	v20 =	vmul.f32 v20, v61;
	v21 =	vadd.f32 v63, v21;
	(pc) =	sbr.rel @p1 .LBB2_3-.Ltmp5, $3  }
0xe8: {  	_ = 	snop  }
0xe9: {  	v20 =	vadd.f32 v20, v21;
	_ =	sdelay $0x1  }
0xea: {  	[tilespmem:v19+s24+$0x0 ss:$0x1] =	vst.idx.msk $0xffff, v20  }
0xeb: {  	p1 =	seq.s32 s19, $0x27  }
.Ltmp6:
0xec: {  	s21 =	smin.u32 @!p1 s21, $0x12C8;
	(pc) =	sbr.rel @p0 .LBB2_11-.Ltmp6, $4  }
0xed: {  	s23 =	simm.s32 @!p1 $0x40;
	s24 =	simm.s32 @!p1 $0x2710;
	s22 =	sadd.s32 @!p1 $0x80, s21  }
0xee: {  	[tilespmem:s24], [sflag:$0x1] =	stream.indirect.gather @!p1 [hbm4b:s3+s23], $0x100, s22, s23, $0xb8;
	[tilespmem:$0x13A98] =	vst v63  }
0xef: {  	s21 =	sadd.s32 @!p1 $0x1408, s21;
	s22 =	simm.s32 @!p1 $0xA710  }
0xf0: {  	[tilespmem:s22], [sflag:$0x1] =	stream.indirect.gather @!p1 [hbm4b:s3+s23], $0x100, s21, s23, $0xb8;
	[tilespmem:$0x13A98] =	vst v63  }
0xf1: {  	_ =	swait.ge [sflag:s14], $0x4000  }
0xf2: {  	[sflag:s14] =	ssyncset.done $0x0  }
0xf3: {  	s20 =	sshll.u32 s20, $0x6;
	[sflag:s14] =	ssyncadd.s32 $0xFFFFC000  }
0xf4: {  	s20 =	smin.u32 s20, $0x1348;
	_ =	swait.ge [sflag:s14], $0x4000  }
0xf5: {  	s21 =	sadd.s32 $0x12710, s20;
	[sflag:s14] =	ssyncset.done $0x0  }
0xf6: {  	s20 =	simm.s32 $0x0;
	v19 =	vmov s21;
	s21 =	simm.s32 $0x0;
	[sflag:s14] =	ssyncadd.s32 $0xFFFFC000  }
.LBB2_8:
0xf7: {  	s22 =	sshll.u32 s21, $0x4  }
0xf8: {  	v20 =	vmov s22  }
0xf9: {  	s23 =	simm.s32 $0x1;
	v20 =	vshll.u32 v20, $0x8  }
0xfa: {  	v23 =	vimm.f32 $0.0e+00;
	s24 =	simm.s32 $0xF;
	s30 =	simm.s32 $0x2;
	v24 =	vadd.s32 s23, v0;
	v20 =	vor.u32 v1, v20  }
0xfb: {  	s31 =	simm.s32 $0xE;
	v26 =	vadd.s32 s24, v0;
	v28 =	vadd.s32 s30, v0;
	v22 =	vor.u32 v0, v20  }
0xfc: {  	s26 =	simm.s32 $0xB;
	v29 =	vadd.s32 s31, v0;
	v27 =	vand.u32 $0x1F8, v24;
	v25 =	vor.u32 s20, v22  }
0xfd: {  	s29 =	simm.s32 $0xC;
	v31 =	vadd.s32 s26, v0;
	v24 =	vand.u32 $0x7, v24;
	v27 =	vadd.s32 v20, v27  }
0xfe: {  	s25 =	simm.s32 $0x3;
	v34 =	vadd.s32 s29, v0;
	v30 =	vand.u32 $0x1F8, v28;
	v24 =	vor.u32 v24, v27  }
0xff: {  	s30 =	simm.s32 $0x5;
	v28 =	vand.u32 $0x7, v28;
	v30 =	vadd.s32 v20, v30;
	v27 =	vadd.s32 s25, v0  }
0x100: {  	s28 =	simm.s32 $0x4;
	v36 =	vadd.s32 s30, v0;
	v28 =	vor.u32 v28, v30;
	v32 =	vand.u32 $0x1F8, v27  }
0x101: {  	s24 =	simm.s32 $0x6;
	v30 =	vadd.s32 s28, v0;
	v27 =	vand.u32 $0x7, v27;
	v32 =	vadd.s32 v20, v32;
	v33 =	vld.idx.msk [tilespmem:v25+s15+$0x0], $0xffff  }
0x102: {  	s26 =	simm.s32 $0x7;
	v39 =	vadd.s32 s24, v0;
	v35 =	vand.u32 $0x1F8, v30;
	v27 =	vor.u32 v27, v32;
	v25 =	vld.idx.msk [tilespmem:v25+s16+$0x0], $0xffff  }
0x103: {  	s29 =	simm.s32 $0xA;
	v42 =	vadd.s32 s26, v0;
	v30 =	vand.u32 $0x7, v30;
	v35 =	vadd.s32 v20, v35;
	v63 =	vld.idx.msk [tilespmem:v24+s15+$0x0], $0xffff  }
0x104: {  	v53 =	vadd.s32 s29, v0;
	v45 =	vand.u32 $0x1F8, v36;
	v30 =	vor.u32 v30, v35;
	v24 =	vld.idx.msk [tilespmem:v24+s16+$0x0], $0xffff  }
0x105: {  	v36 =	vand.u32 $0x7, v36;
	v46 =	vand.u32 $0x1F8, v39;
	v35 =	vadd.s32 v20, v45;
	v38 =	vld.idx.msk [tilespmem:v28+s15+$0x0], $0xffff  }
0x106: {  	v39 =	vand.u32 $0x7, v39;
	v35 =	vor.u32 v36, v35;
	v36 =	vadd.s32 v20, v46;
	v28 =	vld.idx.msk [tilespmem:v28+s16+$0x0], $0xffff  }
0x107: {  	v48 =	vand.u32 $0x1F8, v42;
	v42 =	vand.u32 $0x7, v42;
	s28 =	simm.s32 $0x8;
	v47 =	vor.u32 v39, v36;
	v41 =	vld.idx.msk [tilespmem:v27+s15+$0x0], $0xffff  }
0x108: {  	v21 =	vor.u32 v2, v20;
	s25 =	simm.s32 $0x9;
	v43 =	vadd.s32 s28, v0;
	v27 =	vld.idx.msk [tilespmem:v27+s16+$0x0], $0xffff;
	v25 =	vmul.f32 v25, v33  }
0x109: {  	v40 =	vadd.s32 s25, v0;
	v51 =	vand.u32 $0x1F8, v43;
	v36 =	vadd.s32 v20, v48;
	v49 =	vld.idx.msk [tilespmem:v30+s15+$0x0], $0xffff  }
0x10a: {  	v24 =	vmul.f32 v24, v63;
	v23 =	vadd.f32 v25, v23;
	v25 =	vld.idx.msk [tilespmem:v30+s16+$0x0], $0xffff;
	v30 =	vor.u32 v42, v36  }
0x10b: {  	v52 =	vand.u32 $0x1F8, v40;
	v56 =	vand.u32 $0x7, v40;
	v54 =	vadd.s32 v21, v51;
	v50 =	vld.idx.msk [tilespmem:v35+s15+$0x0], $0xffff  }
0x10c: {  	v57 =	vadd.s32 v20, v52;
	v55 =	vld.idx.msk [tilespmem:v47+s15+$0x0], $0xffff;
	v23 =	vadd.f32 v24, v23;
	v24 =	vmul.f32 v28, v38  }
0x10d: {  	v58 =	vand.u32 $0x1F8, v53;
	v61 =	vand.u32 $0x7, v53;
	v59 =	vor.u32 v56, v57;
	v28 =	vld.idx.msk [tilespmem:v35+s16+$0x0], $0xffff  }
0x10e: {  	v63 =	vand.u32 $0x1F8, v31;
	v23 =	vadd.f32 v24, v23;
	v24 =	vmul.f32 v27, v41;
	v27 =	vld.idx.msk [tilespmem:v47+s16+$0x0], $0xffff  }
0x10f: {  	v62 =	vadd.s32 v20, v58;
	v31 =	vand.u32 $0x7, v31;
	v46 =	vadd.s32 v20, v63;
	v60 =	vld.idx.msk [tilespmem:v30+s15+$0x0], $0xffff  }
0x110: {  	v23 =	vadd.f32 v24, v23;
	v24 =	vmul.f32 v25, v49;
	v25 =	vld.idx.msk [tilespmem:v30+s16+$0x0], $0xffff;
	v30 =	vor.u32 v61, v62  }
0x111: {  	v45 =	vld.idx.msk [tilespmem:v54+s15+$0x0], $0xffff;
	v31 =	vor.u32 v31, v46;
	v47 =	vand.u32 $0x1F8, v34;
	v34 =	vand.u32 $0x7, v34  }
0x112: {  	s31 =	simm.s32 $0xD;
	v48 =	vld.idx.msk [tilespmem:v59+s15+$0x0], $0xffff;
	v49 =	vadd.s32 v20, v47;
	v23 =	vadd.f32 v24, v23;
	v24 =	vmul.f32 v28, v50  }
0x113: {  	v37 =	vadd.s32 s31, v0;
	v51 =	vor.u32 v34, v49;
	v28 =	vld.idx.msk [tilespmem:v54+s16+$0x0], $0xffff  }
0x114: {  	v50 =	vand.u32 $0x1F8, v37;
	v23 =	vadd.f32 v24, v23;
	v24 =	vmul.f32 v27, v55;
	v27 =	vld.idx.msk [tilespmem:v59+s16+$0x0], $0xffff  }
0x115: {  	v53 =	vand.u32 $0x7, v37;
	v54 =	vadd.s32 v20, v50;
	v55 =	vand.u32 $0x1F8, v29;
	v52 =	vld.idx.msk [tilespmem:v30+s15+$0x0], $0xffff  }
0x116: {  	v23 =	vadd.f32 v24, v23;
	v24 =	vmul.f32 v25, v60;
	v25 =	vld.idx.msk [tilespmem:v30+s16+$0x0], $0xffff;
	v30 =	vor.u32 v53, v54  }
0x117: {  	v58 =	vand.u32 $0x1F8, v26;
	v56 =	vld.idx.msk [tilespmem:v31+s15+$0x0], $0xffff;
	v29 =	vand.u32 $0x7, v29;
	v57 =	vadd.s32 v20, v55  }
0x118: {  	v59 =	vld.idx.msk [tilespmem:v31+s16+$0x0], $0xffff;
	v60 =	vor.u32 v29, v57;
	v23 =	vadd.f32 v24, v23;
	v24 =	vmul.f32 v28, v45  }
0x119: {  	v26 =	vand.u32 $0x7, v26;
	v29 =	vld.idx.msk [tilespmem:v51+s15+$0x0], $0xffff;
	v28 =	vadd.s32 v20, v58  }
0x11a: {  	s23 =	simm.s32 $0x10;
	s29 =	simm.s32 $0x11;
	v33 =	vld.idx.msk [tilespmem:v51+s16+$0x0], $0xffff;
	v27 =	vmul.f32 v27, v48;
	v32 =	vor.u32 v26, v28;
	v61 =	vadd.f32 v24, v23  }
0x11b: {  	s26 =	simm.s32 $0x1C;
	v41 =	vadd.s32 s29, v0;
	v28 =	vor.u32 s23, v22;
	v31 =	vld.idx.msk [tilespmem:v30+s15+$0x0], $0xffff  }
0x11c: {  	s30 =	simm.s32 $0x1F;
	s25 =	simm.s32 $0x1E;
	v26 =	vadd.s32 s26, v0;
	v63 =	vmul.f32 v25, v52;
	v35 =	vld.idx.msk [tilespmem:v30+s16+$0x0], $0xffff;
	v62 =	vadd.f32 v27, v61  }
0x11d: {  	s31 =	simm.s32 $0x1B;
	s28 =	simm.s32 $0x1D;
	v42 =	vmul.f32 v59, v56;
	v23 =	vadd.s32 s30, v0;
	v24 =	vadd.s32 s25, v0;
	v34 =	vld.idx.msk [tilespmem:v60+s15+$0x0], $0xffff  }
0x11e: {  	s25 =	simm.s32 $0x14;
	s30 =	simm.s32 $0x12;
	v25 =	vadd.s32 s28, v0;
	v37 =	vld.idx.msk [tilespmem:v60+s16+$0x0], $0xffff;
	v27 =	vadd.s32 s31, v0;
	s31 =	simm.s32 $0x13;
	v40 =	vadd.f32 v63, v62  }
0x11f: {  	s24 =	simm.s32 $0x20;
	v30 =	vadd.s32 s25, v0;
	v39 =	vadd.s32 s30, v0;
	v38 =	vadd.s32 s31, v0;
	v36 =	vld.idx.msk [tilespmem:v32+s15+$0x0], $0xffff  }
.LBB2_9:
0x120: {  	p0 =	slt.u32 s24, $0xE0;
	v43 =	vand.u32 $0x1F8, v41;
	v40 =	vadd.f32 v42, v40;
	v29 =	vmul.f32 v33, v29;
	v32 =	vld.idx.msk [tilespmem:v32+s16+$0x0], $0xffff  }
0x121: {  	v33 =	vand.u32 $0x7, v41;
	v42 =	vand.u32 $0x1F8, v39;
	v41 =	vadd.s32 v20, v43  }
0x122: {  	v31 =	vmul.f32 v35, v31;
	v33 =	vor.u32 v33, v41;
	v29 =	vadd.f32 v29, v40  }
0x123: {  	v35 =	vand.u32 $0x7, v39;
	v39 =	vadd.s32 v20, v42;
	v40 =	vand.u32 $0x1F8, v38  }
0x124: {  	v35 =	vor.u32 v35, v39;
	v29 =	vadd.f32 v31, v29;
	v31 =	vmul.f32 v37, v34  }
0x125: {  	v39 =	vand.u32 $0x1F8, v30;
	v37 =	vand.u32 $0x7, v38;
	v38 =	vadd.s32 v20, v40;
	v34 =	vld.idx.msk [tilespmem:v28+s15+$0x0], $0xffff  }
0x126: {  	s25 =	sadd.s32 $0x5, s23;
	v37 =	vor.u32 v37, v38;
	v28 =	vld.idx.msk [tilespmem:v28+s16+$0x0], $0xffff;
	v29 =	vadd.f32 v31, v29;
	v31 =	vmul.f32 v32, v36  }
0x127: {  	v30 =	vand.u32 $0x7, v30;
	v38 =	vadd.s32 s25, v0;
	v36 =	vadd.s32 v20, v39;
	v32 =	vld.idx.msk [tilespmem:v33+s15+$0x0], $0xffff  }
0x128: {  	s25 =	sadd.s32 $0x6, s23;
	v30 =	vor.u32 v30, v36;
	v36 =	vand.u32 $0x1F8, v38;
	v33 =	vld.idx.msk [tilespmem:v33+s16+$0x0], $0xffff;
	v29 =	vadd.f32 v31, v29  }
0x129: {  	v39 =	vadd.s32 s25, v0;
	s25 =	sadd.s32 $0x9, s23;
	v38 =	vand.u32 $0x7, v38;
	v36 =	vadd.s32 v20, v36;
	v31 =	vld.idx.msk [tilespmem:v35+s15+$0x0], $0xffff  }
0x12a: {  	s26 =	sadd.s32 $0x7, s23;
	v40 =	vadd.s32 s25, v0;
	v36 =	vor.u32 v38, v36;
	v38 =	vand.u32 $0x1F8, v39;
	v35 =	vld.idx.msk [tilespmem:v35+s16+$0x0], $0xffff  }
0x12b: {  	v42 =	vadd.s32 s26, v0;
	v39 =	vand.u32 $0x7, v39;
	v38 =	vadd.s32 v20, v38;
	v41 =	vld.idx.msk [tilespmem:v37+s15+$0x0], $0xffff  }
0x12c: {  	s25 =	sadd.s32 $0x8, s23;
	v28 =	vmul.f32 v28, v34;
	v34 =	vld.idx.msk [tilespmem:v37+s16+$0x0], $0xffff;
	v37 =	vor.u32 v39, v38;
	v38 =	vand.u32 $0x1F8, v42  }
0x12d: {  	v43 =	vadd.s32 s25, v0;
	v42 =	vand.u32 $0x7, v42;
	v39 =	vld.idx.msk [tilespmem:v30+s15+$0x0], $0xffff;
	v38 =	vadd.s32 v20, v38  }
0x12e: {  	s25 =	sadd.s32 $0xA, s23;
	s23 =	smov.u32 s24;
	v28 =	vadd.f32 v28, v29;
	v29 =	vmul.f32 v33, v32;
	v30 =	vld.idx.msk [tilespmem:v30+s16+$0x0], $0xffff;
	v32 =	vor.u32 v42, v38  }
0x12f: {  	v38 =	vand.u32 $0x1F8, v43;
	v42 =	vand.u32 $0x1F8, v40;
	v43 =	vadd.s32 s25, v0;
	v33 =	vld.idx.msk [tilespmem:v36+s15+$0x0], $0xffff  }
0x130: {  	v28 =	vadd.f32 v29, v28;
	v29 =	vmul.f32 v35, v31;
	v35 =	vadd.s32 v21, v38;
	v31 =	vld.idx.msk [tilespmem:v36+s16+$0x0], $0xffff  }
0x131: {  	v38 =	vand.u32 $0x7, v40;
	v40 =	vadd.s32 v20, v42;
	v42 =	vand.u32 $0x1F8, v43;
	v36 =	vld.idx.msk [tilespmem:v37+s15+$0x0], $0xffff  }
0x132: {  	v28 =	vadd.f32 v29, v28;
	v29 =	vmul.f32 v34, v41;
	v34 =	vld.idx.msk [tilespmem:v37+s16+$0x0], $0xffff;
	v37 =	vor.u32 v38, v40  }
0x133: {  	v41 =	vadd.s32 v20, v42;
	v42 =	vand.u32 $0x1F8, v27;
	v40 =	vand.u32 $0x7, v43;
	v38 =	vld.idx.msk [tilespmem:v32+s15+$0x0], $0xffff  }
0x134: {  	v28 =	vadd.f32 v29, v28;
	v29 =	vmul.f32 v30, v39;
	v30 =	vld.idx.msk [tilespmem:v32+s16+$0x0], $0xffff;
	v32 =	vor.u32 v40, v41  }
0x135: {  	v27 =	vand.u32 $0x7, v27;
	v40 =	vadd.s32 v20, v42;
	v41 =	vand.u32 $0x1F8, v26;
	v39 =	vld.idx.msk [tilespmem:v35+s15+$0x0], $0xffff  }
0x136: {  	v28 =	vadd.f32 v29, v28;
	v29 =	vmul.f32 v31, v33;
	v27 =	vor.u32 v27, v40;
	v31 =	vld.idx.msk [tilespmem:v35+s16+$0x0], $0xffff  }
0x137: {  	v26 =	vand.u32 $0x7, v26;
	v40 =	vand.u32 $0x1F8, v25;
	v35 =	vadd.s32 v20, v41;
	v33 =	vld.idx.msk [tilespmem:v37+s15+$0x0], $0xffff  }
0x138: {  	v28 =	vadd.f32 v29, v28;
	v29 =	vmul.f32 v34, v36;
	v26 =	vor.u32 v26, v35;
	v34 =	vld.idx.msk [tilespmem:v37+s16+$0x0], $0xffff  }
0x139: {  	v25 =	vand.u32 $0x7, v25;
	v36 =	vadd.s32 v20, v40;
	v37 =	vand.u32 $0x1F8, v24;
	v35 =	vld.idx.msk [tilespmem:v32+s15+$0x0], $0xffff  }
0x13a: {  	v25 =	vor.u32 v25, v36;
	v28 =	vadd.f32 v29, v28;
	v29 =	vmul.f32 v30, v38;
	v30 =	vld.idx.msk [tilespmem:v32+s16+$0x0], $0xffff  }
0x13b: {  	v24 =	vand.u32 $0x7, v24;
	v32 =	vadd.s32 v20, v37;
	v37 =	vand.u32 $0x1F8, v23;
	v36 =	vld.idx.msk [tilespmem:v27+s15+$0x0], $0xffff  }
0x13c: {  	v28 =	vadd.f32 v29, v28;
	v31 =	vmul.f32 v31, v39;
	v39 =	vor.u32 v24, v32;
	v38 =	vld.idx.msk [tilespmem:v27+s16+$0x0], $0xffff  }
0x13d: {  	v23 =	vand.u32 $0x7, v23;
	v24 =	vadd.s32 v20, v37;
	v29 =	vld.idx.msk [tilespmem:v26+s15+$0x0], $0xffff  }
0x13e: {  	s25 =	sadd.s32 $0xF, s24;
	v32 =	vor.u32 v23, v24;
	v27 =	vadd.f32 v31, v28;
	v34 =	vmul.f32 v34, v33;
	v33 =	vld.idx.msk [tilespmem:v26+s16+$0x0], $0xffff  }
.Ltmp7:
0x13f: {  	s26 =	sadd.s32 $0xE, s24;
	v23 =	vadd.s32 s25, v0;
	v28 =	vor.u32 s24, v22;
	v31 =	vld.idx.msk [tilespmem:v25+s15+$0x0], $0xffff;
	(pc) =	sbr.rel @p0 .LBB2_9-.Ltmp7, $4  }
0x140: {  	s28 =	sadd.s32 $0xC, s24;
	s29 =	sadd.s32 $0xD, s24;
	s25 =	sadd.s32 $0xB, s24;
	v24 =	vadd.s32 s26, v0;
	v37 =	vadd.f32 v34, v27;
	v40 =	vmul.f32 v30, v35;
	v35 =	vld.idx.msk [tilespmem:v25+s16+$0x0], $0xffff  }
0x141: {  	s26 =	sadd.s32 $0x4, s24;
	v26 =	vadd.s32 s28, v0;
	v27 =	vadd.s32 s25, v0;
	v25 =	vadd.s32 s29, v0;
	v34 =	vld.idx.msk [tilespmem:v39+s15+$0x0], $0xffff  }
0x142: {  	s28 =	sadd.s32 $0x2, s24;
	s25 =	sadd.s32 $0x1, s24;
	v30 =	vadd.s32 s26, v0;
	s29 =	sadd.s32 $0x3, s24;
	v40 =	vadd.f32 v40, v37;
	v42 =	vmul.f32 v38, v36;
	v37 =	vld.idx.msk [tilespmem:v39+s16+$0x0], $0xffff  }
0x143: {  	v41 =	vadd.s32 s25, v0;
	s24 =	sadd.s32 $0x10, s24;
	v38 =	vadd.s32 s29, v0;
	v39 =	vadd.s32 s28, v0;
	v36 =	vld.idx.msk [tilespmem:v32+s15+$0x0], $0xffff  }
0x144: {  	v22 =	vand.u32 $0x1F8, v41  }
0x145: {  	v40 =	vadd.f32 v42, v40;
	v29 =	vmul.f32 v33, v29;
	v45 =	vand.u32 $0x7, v41  }
0x146: {  	v46 =	vand.u32 $0x1F8, v39;
	v47 =	vand.u32 $0x7, v39;
	v22 =	vadd.s32 v20, v22  }
0x147: {  	v49 =	vand.u32 $0x1F8, v38;
	v51 =	vand.u32 $0x7, v38;
	v22 =	vor.u32 v45, v22  }
0x148: {  	v54 =	vand.u32 $0x1F8, v30;
	v59 =	vand.u32 $0x7, v30;
	v48 =	vadd.s32 v20, v46  }
0x149: {  	v32 =	vld.idx.msk [tilespmem:v32+s16+$0x0], $0xffff;
	s24 =	sadd.s32 $0x5, s23;
	v31 =	vmul.f32 v35, v31;
	v52 =	vadd.s32 v20, v49;
	v33 =	vor.u32 v47, v48  }
0x14a: {  	v53 =	vld.idx.msk [tilespmem:v28+s15+$0x0], $0xffff;
	s28 =	sadd.s32 $0x6, s23;
	v57 =	vadd.s32 s24, v0;
	v60 =	vadd.s32 v20, v54;
	v29 =	vadd.f32 v29, v40  }
0x14b: {  	v55 =	vld.idx.msk [tilespmem:v28+s16+$0x0], $0xffff;
	v43 =	vadd.s32 s28, v0;
	v50 =	vmul.f32 v37, v34;
	v34 =	vor.u32 v51, v52  }
0x14c: {  	s29 =	sadd.s32 $0x7, s23;
	v61 =	vand.u32 $0x1F8, v57;
	v30 =	vor.u32 v59, v60;
	v29 =	vadd.f32 v31, v29;
	v58 =	vld.idx.msk [tilespmem:v22+s15+$0x0], $0xffff  }
0x14d: {  	v44 =	vand.u32 $0x1F8, v43;
	v45 =	vadd.s32 s29, v0;
	v62 =	vadd.s32 v20, v61;
	v22 =	vld.idx.msk [tilespmem:v22+s16+$0x0], $0xffff  }
0x14e: {  	v56 =	vmul.f32 v32, v36;
	v32 =	vand.u32 $0x7, v57;
	v29 =	vadd.f32 v50, v29;
	v63 =	vld.idx.msk [tilespmem:v33+s15+$0x0], $0xffff  }
0x14f: {  	v38 =	vand.u32 $0x7, v43;
	v47 =	vand.u32 $0x1F8, v45;
	v32 =	vor.u32 v32, v62;
	v33 =	vld.idx.msk [tilespmem:v33+s16+$0x0], $0xffff  }
0x150: {  	s25 =	sadd.s32 $0x9, s23;
	v36 =	vadd.s32 v20, v44;
	v28 =	vmul.f32 v55, v53;
	v29 =	vadd.f32 v56, v29;
	v46 =	vld.idx.msk [tilespmem:v34+s15+$0x0], $0xffff  }
0x151: {  	v48 =	vand.u32 $0x7, v45;
	v51 =	vadd.s32 s25, v0;
	v36 =	vor.u32 v38, v36;
	v34 =	vld.idx.msk [tilespmem:v34+s16+$0x0], $0xffff  }
0x152: {  	s30 =	sadd.s32 $0x8, s23;
	v37 =	vadd.s32 v20, v47;
	v49 =	vld.idx.msk [tilespmem:v30+s15+$0x0], $0xffff;
	v28 =	vadd.f32 v28, v29;
	v22 =	vmul.f32 v22, v58  }
0x153: {  	v52 =	vor.u32 v48, v37;
	v55 =	vand.u32 $0x1F8, v51;
	v50 =	vadd.s32 s30, v0;
	v30 =	vld.idx.msk [tilespmem:v30+s16+$0x0], $0xffff  }
0x154: {  	s31 =	sadd.s32 $0xA, s23;
	v53 =	vand.u32 $0x1F8, v50;
	v54 =	vld.idx.msk [tilespmem:v32+s15+$0x0], $0xffff;
	v56 =	vmul.f32 v33, v63;
	v22 =	vadd.f32 v22, v28  }
0x155: {  	v57 =	vadd.s32 s31, v0;
	v59 =	vadd.s32 v20, v55;
	v21 =	vadd.s32 v21, v53;
	v32 =	vld.idx.msk [tilespmem:v32+s16+$0x0], $0xffff  }
0x156: {  	v29 =	vand.u32 $0x7, v51;
	v58 =	vld.idx.msk [tilespmem:v36+s15+$0x0], $0xffff;
	v60 =	vmul.f32 v34, v46;
	v22 =	vadd.f32 v56, v22  }
0x157: {  	v61 =	vand.u32 $0x1F8, v57;
	v31 =	vand.u32 $0x7, v57;
	v29 =	vor.u32 v29, v59;
	v36 =	vld.idx.msk [tilespmem:v36+s16+$0x0], $0xffff  }
0x158: {  	v62 =	vld.idx.msk [tilespmem:v52+s15+$0x0], $0xffff;
	v63 =	vmul.f32 v30, v49;
	v34 =	vadd.s32 v20, v61;
	v22 =	vadd.f32 v60, v22  }
0x159: {  	v39 =	vand.u32 $0x1F8, v27;
	v40 =	vand.u32 $0x7, v27;
	v35 =	vld.idx.msk [tilespmem:v52+s16+$0x0], $0xffff;
	v31 =	vor.u32 v31, v34  }
0x15a: {  	v30 =	vadd.s32 v20, v39;
	v41 =	vld.idx.msk [tilespmem:v21+s15+$0x0], $0xffff;
	v42 =	vmul.f32 v32, v54;
	v22 =	vadd.f32 v63, v22  }
0x15b: {  	v43 =	vand.u32 $0x1F8, v26;
	v44 =	vand.u32 $0x7, v26;
	v21 =	vld.idx.msk [tilespmem:v21+s16+$0x0], $0xffff;
	v27 =	vor.u32 v40, v30  }
0x15c: {  	v45 =	vld.idx.msk [tilespmem:v29+s15+$0x0], $0xffff;
	v32 =	vadd.s32 v20, v43;
	v46 =	vmul.f32 v36, v58;
	v22 =	vadd.f32 v42, v22  }
0x15d: {  	v47 =	vand.u32 $0x1F8, v25;
	v48 =	vand.u32 $0x7, v25;
	v29 =	vld.idx.msk [tilespmem:v29+s16+$0x0], $0xffff;
	v26 =	vor.u32 v44, v32  }
0x15e: {  	v33 =	vadd.s32 v20, v47;
	v50 =	vmul.f32 v35, v62;
	v49 =	vld.idx.msk [tilespmem:v31+s15+$0x0], $0xffff;
	v22 =	vadd.f32 v46, v22  }
0x15f: {  	v51 =	vand.u32 $0x1F8, v24;
	v52 =	vand.u32 $0x7, v24;
	v25 =	vor.u32 v48, v33;
	v31 =	vld.idx.msk [tilespmem:v31+s16+$0x0], $0xffff  }
0x160: {  	v35 =	vadd.s32 v20, v51;
	v53 =	vld.idx.msk [tilespmem:v27+s15+$0x0], $0xffff;
	v21 =	vmul.f32 v21, v41;
	v22 =	vadd.f32 v50, v22  }
0x161: {  	v55 =	vand.u32 $0x7, v23;
	v54 =	vand.u32 $0x1F8, v23;
	v24 =	vor.u32 v52, v35;
	v27 =	vld.idx.msk [tilespmem:v27+s16+$0x0], $0xffff  }
0x162: {  	v28 =	vadd.s32 v20, v54;
	v57 =	vmul.f32 v29, v45;
	v56 =	vld.idx.msk [tilespmem:v26+s15+$0x0], $0xffff;
	v21 =	vadd.f32 v21, v22  }
0x163: {  	v23 =	vor.u32 v55, v28;
	v26 =	vld.idx.msk [tilespmem:v26+s16+$0x0], $0xffff  }
0x164: {  	v58 =	vld.idx.msk [tilespmem:v25+s15+$0x0], $0xffff;
	v59 =	vmul.f32 v31, v49;
	v21 =	vadd.f32 v57, v21  }
0x165: {  	v25 =	vld.idx.msk [tilespmem:v25+s16+$0x0], $0xffff;
	v60 =	vor.u32 v3, v20  }
0x166: {  	v61 =	vld.idx.msk [tilespmem:v24+s15+$0x0], $0xffff;
	v62 =	vmul.f32 v27, v53;
	v21 =	vadd.f32 v59, v21  }
0x167: {  	v63 =	vor.u32 v4, v20;
	v24 =	vld.idx.msk [tilespmem:v24+s16+$0x0], $0xffff  }
0x168: {  	v33 =	vld.idx.msk [tilespmem:v23+s15+$0x0], $0xffff;
	v34 =	vmul.f32 v26, v56;
	v21 =	vadd.f32 v62, v21  }
0x169: {  	v35 =	vor.u32 v5, v20;
	v23 =	vld.idx.msk [tilespmem:v23+s16+$0x0], $0xffff  }
0x16a: {  	v36 =	vmul.f32 v25, v58;
	v37 =	vld.idx.msk [tilespmem:v60+s15+$0x0], $0xffff;
	v21 =	vadd.f32 v34, v21  }
0x16b: {  	v39 =	vor.u32 v6, v20;
	v38 =	vld.idx.msk [tilespmem:v60+s16+$0x0], $0xffff  }
0x16c: {  	v41 =	vld.idx.msk [tilespmem:v63+s15+$0x0], $0xffff;
	v40 =	vmul.f32 v24, v61;
	v21 =	vadd.f32 v36, v21  }
0x16d: {  	v42 =	vor.u32 v7, v20;
	v27 =	vld.idx.msk [tilespmem:v63+s16+$0x0], $0xffff  }
0x16e: {  	v44 =	vld.idx.msk [tilespmem:v35+s15+$0x0], $0xffff;
	v43 =	vmul.f32 v23, v33;
	v21 =	vadd.f32 v40, v21  }
0x16f: {  	v45 =	vor.u32 v8, v20;
	v26 =	vld.idx.msk [tilespmem:v35+s16+$0x0], $0xffff  }
0x170: {  	v47 =	vld.idx.msk [tilespmem:v39+s15+$0x0], $0xffff;
	v46 =	vmul.f32 v38, v37;
	v21 =	vadd.f32 v43, v21  }
0x171: {  	v48 =	vld.idx.msk [tilespmem:v39+s16+$0x0], $0xffff;
	v49 =	vor.u32 v9, v20  }
0x172: {  	v51 =	vld.idx.msk [tilespmem:v42+s15+$0x0], $0xffff;
	v50 =	vmul.f32 v27, v41;
	v21 =	vadd.f32 v46, v21  }
0x173: {  	v53 =	vor.u32 v10, v20;
	v52 =	vld.idx.msk [tilespmem:v42+s16+$0x0], $0xffff  }
0x174: {  	v55 =	vld.idx.msk [tilespmem:v45+s15+$0x0], $0xffff;
	v54 =	vmul.f32 v26, v44;
	v21 =	vadd.f32 v50, v21  }
0x175: {  	v56 =	vld.idx.msk [tilespmem:v45+s16+$0x0], $0xffff;
	v57 =	vor.u32 v11, v20  }
0x176: {  	v58 =	vmul.f32 v48, v47;
	v60 =	vld.idx.msk [tilespmem:v49+s16+$0x0], $0xffff;
	v21 =	vadd.f32 v54, v21  }
0x177: {  	v61 =	vor.u32 v12, v20;
	v59 =	vld.idx.msk [tilespmem:v49+s15+$0x0], $0xffff  }
0x178: {  	v63 =	vld.idx.msk [tilespmem:v53+s15+$0x0], $0xffff;
	v62 =	vmul.f32 v52, v51;
	v21 =	vadd.f32 v58, v21  }
0x179: {  	v33 =	vld.idx.msk [tilespmem:v53+s16+$0x0], $0xffff;
	v34 =	vor.u32 v13, v20  }
0x17a: {  	v35 =	vmul.f32 v56, v55;
	v37 =	vld.idx.msk [tilespmem:v57+s16+$0x0], $0xffff;
	v21 =	vadd.f32 v62, v21  }
0x17b: {  	v38 =	vor.u32 v14, v20;
	v36 =	vld.idx.msk [tilespmem:v57+s15+$0x0], $0xffff  }
0x17c: {  	v41 =	vld.idx.msk [tilespmem:v61+s16+$0x0], $0xffff;
	v39 =	vmul.f32 v60, v59;
	v21 =	vadd.f32 v35, v21  }
0x17d: {  	v42 =	vor.u32 v15, v20;
	v40 =	vld.idx.msk [tilespmem:v61+s15+$0x0], $0xffff  }
0x17e: {  	v44 =	vld.idx.msk [tilespmem:v34+s15+$0x0], $0xffff;
	v43 =	vmul.f32 v33, v63;
	v21 =	vadd.f32 v39, v21  }
0x17f: {  	v45 =	vld.idx.msk [tilespmem:v34+s16+$0x0], $0xffff;
	v46 =	vor.u32 v16, v20  }
0x180: {  	v48 =	vld.idx.msk [tilespmem:v38+s15+$0x0], $0xffff;
	v47 =	vmul.f32 v37, v36;
	v21 =	vadd.f32 v43, v21  }
0x181: {  	v49 =	vld.idx.msk [tilespmem:v38+s16+$0x0], $0xffff;
	v50 =	vor.u32 v17, v20  }
0x182: {  	v53 =	vld.idx.msk [tilespmem:v42+s16+$0x0], $0xffff;
	v51 =	vmul.f32 v41, v40;
	v21 =	vadd.f32 v47, v21  }
0x183: {  	v52 =	vld.idx.msk [tilespmem:v42+s15+$0x0], $0xffff;
	v20 =	vor.u32 v18, v20  }
0x184: {  	v54 =	vmul.f32 v45, v44;
	v55 =	vld.idx.msk [tilespmem:v46+s15+$0x0], $0xffff;
	v21 =	vadd.f32 v51, v21  }
0x185: {  	v56 =	vld.idx.msk [tilespmem:v46+s16+$0x0], $0xffff  }
0x186: {  	v57 =	vmul.f32 v49, v48;
	v58 =	vld.idx.msk [tilespmem:v50+s15+$0x0], $0xffff;
	v21 =	vadd.f32 v54, v21  }
0x187: {  	v59 =	vld.idx.msk [tilespmem:v50+s16+$0x0], $0xffff  }
0x188: {  	v60 =	vmul.f32 v53, v52;
	v61 =	vld.idx.msk [tilespmem:v20+s15+$0x0], $0xffff;
	v21 =	vadd.f32 v57, v21  }
0x189: {  	v20 =	vld.idx.msk [tilespmem:v20+s16+$0x0], $0xffff  }
0x18a: {  	v62 =	vmul.f32 v56, v55;
	v21 =	vadd.f32 v60, v21;
	_ =	sdelay $0x1  }
0x18b: {  	s21 =	sadd.s32 $0x1, s21;
	v63 =	vmul.f32 v59, v58;
	v21 =	vadd.f32 v62, v21  }
0x18c: {  	p0 =	sne.s32 s21, $0x4  }
.Ltmp8:
0x18d: {  	v20 =	vmul.f32 v20, v61;
	v21 =	vadd.f32 v63, v21;
	(pc) =	sbr.rel @p0 .LBB2_8-.Ltmp8, $4  }
.Ltmp9:
0x18e: {  	_ = 	snop;
	(pc) =	sbr.rel @!p0 .LBB2_11-.Ltmp9, $4  }
0x18f: {  	v20 =	vadd.f32 v20, v21  }
0x190: {  	_ = 	snop  }
0x191: {  	[tilespmem:v19+s22+$0x0 ss:$0x1] =	vst.idx.msk $0xffff, v20  }
0x192: {  	_ = 	snop  }
.LBB2_13:
0x193: {  	_ =	sfence.sel $0x180000  }
0x194: {  	[bflag:$0x0] =	sbarrier.arrive $0xFFFF  }
0x195: {  	p0 =	sne.s32 s0, $0x0;
	_ =	strace $0x90000047  }
0x196: {  	s0 =	sadd.s32 @!p0 $0x100000, s1;
	[bflag:$0x2] =	sbarrier.arrive $0xFFFF  }
0x197: {  	[sflag:s0] =	ssyncadd.tile.s32 @!p0 $0x1;
	_ =	shalt  }
.Lfunc_end2:
_tile_overlayer_lowered:
.L_overlay_start_2:
0x198: {  	(tag) =	ssettag $0x2  }
0x199: {  	s0 =	rddreg [dreg:$0x0];
	s2 =	stileid.u32  }
0x19a: {  	s1 =	rddreg [dreg:$0x1];
	p0 =	sne.s32 s2, $0x0  }
0x19b: {  	s3 =	rddreg [dreg:$0x2];
	[bflag:$0x3] =	sbarrier.arrive $0xFFFF;
	s2 =	simm.s32 @!p0 $0x1C03  }
0x19c: {  	[timem:s3], [sflag:s2] =	dma.local @!p0 [hbm:s0], s1  }
0x19d: {  	s0 =	simm.s32 @!p0 $0x3  }
0x19e: {  	_ =	swait.ge @!p0 [sflag:s0], s1  }
0x19f: {  	s1 =	ssub.s32 @!p0 $0x0, s1;
	[sflag:s0] =	ssyncset.done @!p0 $0x0  }
0x1a0: {  	[sflag:s0] =	ssyncadd.s32 @!p0 s1  }
0x1a1: {  	[bflag:$0x3] =	sbarrier.arrive $0xFFFF  }
0x1a2: {  	_ =	shalt  }

</sc_bundles>
